<compile_context>
chip_gen: v7x
topology: tpu7x:2x2x1
jax: 0.10.2.dev20260603
libtpu: 0.0.44.dev20260713+nightly
codegen_flags: <defaults>
</compile_context>

<pallas_src>
import functools

import jax
import jax.numpy as jnp
from jax import lax
from jax.experimental import pallas as pl
from jax.experimental.pallas import tpu as pltpu

NPOINT = 1024
RADIUS = 0.2
NSAMPLE = 64
B = 8
N = 4096
SEED_ROWS = 64
NUM_SEED_TILES = N // SEED_ROWS


def _first_argmax(v, iota, axis):
    m = jnp.max(v, axis=axis, keepdims=True)
    return m, jnp.min(jnp.where(v == m, iota, jnp.int32(N * N)), axis=axis,
                      keepdims=True)


def _fps_kernel(lhs_seed_ref, nseed_ref, xyzT24_ref, x_ref, y_ref, z_ref,
                n8_ref, selx_ref, sely_ref, selz_ref):
    n8 = n8_ref[...]
    iota_n = lax.broadcasted_iota(jnp.int32, (B, N), 1)

    def dist_row(i):
        onehot = iota_n == i
        xs = jnp.sum(jnp.where(onehot, x_ref[...], 0.0), axis=1, keepdims=True)
        ys = jnp.sum(jnp.where(onehot, y_ref[...], 0.0), axis=1, keepdims=True)
        zs = jnp.sum(jnp.where(onehot, z_ref[...], 0.0), axis=1, keepdims=True)
        ns = jnp.sum(jnp.where(onehot, n8, 0.0), axis=1, keepdims=True)
        lane = lax.broadcasted_iota(jnp.int32, (B, 24), 1)
        row = lax.broadcasted_iota(jnp.int32, (B, 24), 0)
        lhs = (jnp.where(lane == 3 * row, xs, 0.0)
               + jnp.where(lane == 3 * row + 1, ys, 0.0)
               + jnp.where(lane == 3 * row + 2, zs, 0.0))
        dot = lax.dot_general(lhs, xyzT24_ref[...], (((1,), (0,)), ((), ())),
                              preferred_element_type=jnp.float32)
        d2 = (ns + n8) - 2.0 * dot
        return jnp.sqrt(jnp.maximum(d2, 0.0)), (xs, ys, zs)

    def store_sel(nn, xs, ys, zs):
        selx_ref[pl.ds(nn, 1)] = xs.reshape(1, B, 1)
        sely_ref[pl.ds(nn, 1)] = ys.reshape(1, B, 1)
        selz_ref[pl.ds(nn, 1)] = zs.reshape(1, B, 1)

    iota_r = lax.broadcasted_iota(jnp.int32, (B, SEED_ROWS, 1), 1)
    iota_c = lax.broadcasted_iota(jnp.int32, (B, SEED_ROWS, N), 2)
    iota_b = lax.broadcasted_iota(jnp.int32, (B, 1), 0)

    def seed_body(rt, carry):
        bv, brow, bcol = carry
        lhs = lhs_seed_ref[rt]
        dot = lax.dot_general(lhs, xyzT24_ref[...], (((1,), (0,)), ((), ())),
                              preferred_element_type=jnp.float32)
        dot3 = dot.reshape(B, SEED_ROWS, N)
        nc = nseed_ref[rt].reshape(B, SEED_ROWS, 1)
        d2 = (nc + n8.reshape(B, 1, N)) - 2.0 * dot3
        dist3 = jnp.sqrt(jnp.maximum(d2, 0.0))
        m2, a2 = _first_argmax(dist3, iota_c, 2)
        m1 = jnp.max(m2, axis=1)
        rsel = jnp.min(jnp.where(m2[..., 0] == m1, iota_r[..., 0],
                                 jnp.int32(N * N)), axis=1, keepdims=True)
        csel = jnp.min(jnp.where(iota_r[..., 0] == rsel, a2[..., 0],
                                 jnp.int32(N * N)), axis=1, keepdims=True)
        upd = m1 > bv
        bv = jnp.where(upd, m1, bv)
        brow = jnp.where(upd, rt * SEED_ROWS + rsel, brow)
        bcol = jnp.where(upd, csel, bcol)
        return bv, brow, bcol

    init = (jnp.full((B, 1), -1.0, jnp.float32),
            jnp.zeros((B, 1), jnp.int32), jnp.zeros((B, 1), jnp.int32))
    _, j0, i0 = lax.fori_loop(0, NUM_SEED_TILES, seed_body, init)

    drow_j0, cj = dist_row(j0)
    store_sel(0, *cj)
    drow_i0, ci = dist_row(i0)
    store_sel(1, *ci)
    dist0 = jnp.minimum(drow_i0, drow_j0)

    def body(nn, dist):
        m = jnp.max(dist, axis=1, keepdims=True)
        i = jnp.min(jnp.where(dist == m, iota_n, jnp.int32(N)), axis=1,
                    keepdims=True)
        drow, coords = dist_row(i)
        store_sel(nn, *coords)
        return jnp.minimum(dist, drow)

    lax.fori_loop(2, NPOINT, body, dist0)


def _bq_dist_kernel(nxyz_ref, ncen_ref, xyzT_ref, n8_ref, out_ref):
    lhs = nxyz_ref[0]
    rhs = xyzT_ref[0]
    dot = lax.dot_general(lhs, rhs, (((1,), (0,)), ((), ())),
                          preferred_element_type=jnp.float32)
    d2 = (ncen_ref[0] + n8_ref[0]) - 2.0 * dot
    out_ref[0] = jnp.sqrt(jnp.maximum(d2, 0.0))


def _run_fps(xyz, n8, interpret=False):
    xT = xyz[..., 0]
    yT = xyz[..., 1]
    zT = xyz[..., 2]
    xyzT24 = xyz.transpose(0, 2, 1).reshape(24, N)
    rows = xyz.reshape(B, NUM_SEED_TILES, SEED_ROWS, 3)
    eye = jnp.eye(B, dtype=jnp.float32)
    lhs_seed = (rows[:, :, :, None, :] * eye[:, None, None, :, None]
                ).transpose(1, 0, 2, 3, 4).reshape(NUM_SEED_TILES,
                                                   B * SEED_ROWS, 24)
    nseed = n8.reshape(B, NUM_SEED_TILES, SEED_ROWS).transpose(1, 0, 2)

    out_shape = [jax.ShapeDtypeStruct((NPOINT, B, 1), jnp.float32)] * 3
    selx, sely, selz = pl.pallas_call(
        _fps_kernel,
        out_shape=out_shape,
        interpret=interpret,
    )(lhs_seed, nseed, xyzT24, xT, yT, zT, n8)
    new_xyz = jnp.concatenate([selx, sely, selz], axis=2).transpose(1, 0, 2)
    return new_xyz


def _run_bq_dist(new_xyz, ncen, xyzT, n8, interpret=False):
    CT = 128
    grid = (B, NPOINT // CT)
    return pl.pallas_call(
        _bq_dist_kernel,
        grid=grid,
        in_specs=[
            pl.BlockSpec((1, CT, 3), lambda b, c: (b, c, 0)),
            pl.BlockSpec((1, CT, 1), lambda b, c: (b, c, 0)),
            pl.BlockSpec((1, 3, N), lambda b, c: (b, 0, 0)),
            pl.BlockSpec((1, 1, N), lambda b, c: (b, 0, 0)),
        ],
        out_specs=pl.BlockSpec((1, CT, N), lambda b, c: (b, c, 0)),
        out_shape=jax.ShapeDtypeStruct((B, NPOINT, N), jnp.float32),
        interpret=interpret,
    )(new_xyz, ncen.reshape(B, NPOINT, 1), xyzT, n8.reshape(B, 1, N))


def kernel(xyz, points, interpret=False):
    n8 = jnp.sum(xyz * xyz, -1)
    new_xyz = _run_fps(xyz, n8, interpret)
    ncen = jnp.sum(new_xyz * new_xyz, -1)
    xyzT = xyz.transpose(0, 2, 1)
    dmat = _run_bq_dist(new_xyz, ncen, xyzT, n8, interpret)

    jidx = jnp.arange(N, dtype=jnp.int32)
    cand = jnp.where(dmat < RADIUS, jidx[None, None, :], jnp.int32(N))
    sorted_idx = jnp.sort(cand, axis=-1)[..., :NSAMPLE]
    first = sorted_idx[..., :1]
    idx = jnp.where(sorted_idx >= N, first, sorted_idx)
    grouped_xyz = jax.vmap(lambda p, i: p[i])(xyz, idx) - new_xyz[:, :, None, :]
    grouped_points = jax.vmap(lambda p, i: p[i])(points, idx)
    new_points = jnp.concatenate([grouped_xyz, grouped_points], axis=-1)
    return (new_xyz, new_points)

# --- scband reference (transcript-rebuilt; emitter-appended) ---
"""Pipeline reference for scband-sample-and-group-16776142258204 (READ-ONLY COPY).

The authoritative reference and input builder live on the scoring server;
editing this copy changes nothing except your own understanding.
"""

import jax, jax.numpy as jnp
import numpy as np

NPOINT = 1024
RADIUS = 0.2
NSAMPLE = 64


def pdist2(a, b):
    # a: (B, M, 3), b: (B, N, 3) -> (B, M, N) euclidean distance
    d2 = (jnp.sum(a * a, -1)[:, :, None]
          + jnp.sum(b * b, -1)[:, None, :]
          - 2.0 * jnp.einsum('bmc,bnc->bmn', a, b))
    return jnp.sqrt(jnp.maximum(d2, 0.0))


def furthest_point_sample(xyz, npoint):
    # Faithful to reference: seed with the globally most-distant pair (j0, i0),
    # then iteratively add the point with max min-distance to the set.
    B, N, _ = xyz.shape
    dmat = pdist2(xyz, xyz)  # (B, N, N)
    flat = dmat.reshape(B, -1)
    furthest = jnp.argmax(flat, axis=1)
    j0 = (furthest // N).astype(jnp.int32)
    i0 = (furthest % N).astype(jnp.int32)
    allb = jnp.arange(B)
    out = jnp.zeros((npoint, B), dtype=jnp.int32)
    out = out.at[0].set(j0).at[1].set(i0)
    dist = jnp.minimum(dmat[allb, i0], dmat[allb, j0])  # (B, N)

    def body(n, carry):
        out, dist = carry
        i = jnp.argmax(dist, axis=1).astype(jnp.int32)
        out = out.at[n].set(i)
        dist = jnp.minimum(dist, dmat[allb, i])
        return (out, dist)

    out, _ = jax.lax.fori_loop(2, npoint, body, (out, dist))
    return out.T  # (B, npoint)


def gather_points(points, idx):
    # points: (B, N, C), idx: (B, npoint) -> (B, npoint, C)
    return jax.vmap(lambda p, i: p[i])(points, idx)


def ball_query(radius, nsample, xyz, new_xyz):
    # Emulates pointnet2 ball_query: first `nsample` indices (in original point
    # order) whose distance < radius; empty slots padded with the first hit.
    dmat = pdist2(new_xyz, xyz)  # (B, npoint, N)
    N = xyz.shape[1]
    jidx = jnp.arange(N, dtype=jnp.int32)
    cand = jnp.where(dmat < radius, jidx[None, None, :], jnp.int32(N))
    sorted_idx = jnp.sort(cand, axis=-1)[..., :nsample]
    first = sorted_idx[..., :1]
    idx = jnp.where(sorted_idx >= N, first, sorted_idx)
    return idx  # (B, npoint, nsample) int32


def group_points(points, idx):
    # points: (B, N, C), idx: (B, npoint, nsample) -> (B, npoint, nsample, C)
    return jax.vmap(lambda p, i: p[i])(points, idx)


def setup_inputs(seed: int = 0) -> dict:
    key = jax.random.key(seed)
    k1, k2 = jax.random.split(key)
    xyz = jax.random.uniform(k1, (8, 4096, 3), dtype=jnp.float32)
    points = jax.random.normal(k2, (8, 4096, 64), dtype=jnp.float32)
    return {"xyz": xyz, "points": points}


def reference(xyz, points):
    fps_idx = furthest_point_sample(jax.lax.stop_gradient(xyz), NPOINT)
    new_xyz = gather_points(xyz, fps_idx)  # (B, npoint, 3)
    idx = ball_query(RADIUS, NSAMPLE,
                     jax.lax.stop_gradient(xyz),
                     jax.lax.stop_gradient(new_xyz))
    grouped_xyz = group_points(xyz, idx) - new_xyz[:, :, None, :]
    grouped_points = group_points(points, idx)
    new_points = jnp.concatenate([grouped_xyz, grouped_points], axis=-1)
    return (new_xyz, new_points)

if __name__ == "__main__":
    import jax
    _d = setup_inputs()
    print(jax.jit(kernel)(*tuple(_d.values())))

</pallas_src>

<mosaic_0001>
module attributes {stable_mosaic.version = 14 : i64} {
  func.func @_fps_kernel(%arg0: memref<64x512x24xf32, #tpu.memory_space<vmem>>, %arg1: memref<64x8x64xf32, #tpu.memory_space<vmem>>, %arg2: memref<24x4096xf32, #tpu.memory_space<vmem>>, %arg3: memref<8x4096xf32, #tpu.memory_space<vmem>>, %arg4: memref<8x4096xf32, #tpu.memory_space<vmem>>, %arg5: memref<8x4096xf32, #tpu.memory_space<vmem>>, %arg6: memref<8x4096xf32, #tpu.memory_space<vmem>>, %arg7: memref<1024x8x1xf32, #tpu.memory_space<vmem>>, %arg8: memref<1024x8x1xf32, #tpu.memory_space<vmem>>, %arg9: memref<1024x8x1xf32, #tpu.memory_space<vmem>>) attributes {dimension_semantics = [], scalar_prefetch = 0 : i64, scratch_operands = 0 : i64, tpu.core_type = #tpu.core_type<tc>} {
    %get3A = arith.constant 0 : index
    %get3A_0 = arith.constant 0 : index
    %get3A_1 = vector.load %arg6[%get3A, %get3A_0] : memref<8x4096xf32, #tpu.memory_space<vmem>>, vector<8x4096xf32>
    %iota3A = tpu.iota {dimensions = array<i32: 1>} : vector<8x4096xi32>
    %iota3A_2 = tpu.iota {dimensions = array<i32: 1>} : vector<8x64x1xi32>
    %iota3A_3 = tpu.iota {dimensions = array<i32: 2>} : vector<8x64x4096xi32>
    %broadcast_in_dim3A = arith.constant -1.000000e+00 : f32
    %broadcast_in_dim3A_4 = vector.broadcast %broadcast_in_dim3A : f32 to vector<8x1xf32>
    %broadcast_in_dim3A_5 = arith.constant 0 : i32
    %broadcast_in_dim3A_6 = vector.broadcast %broadcast_in_dim3A_5 : i32 to vector<8x1xi32>
    %broadcast_in_dim3A_7 = arith.constant 0 : i32
    %broadcast_in_dim3A_8 = vector.broadcast %broadcast_in_dim3A_7 : i32 to vector<8x1xi32>
    %scan3A = arith.constant 0 : i32
    %scan3A_9 = arith.constant 64 : i32
    %scan3A_10 = arith.addi %scan3A, %scan3A_9 : i32
    %scan3A_11 = arith.constant 1 : i32
    %scan3A_12:3 = scf.for %scan3A_212 = %scan3A to %scan3A_10 step %scan3A_11 iter_args(%scan3A_213 = %broadcast_in_dim3A_4, %scan3A_214 = %broadcast_in_dim3A_6, %scan3A_215 = %broadcast_in_dim3A_8) -> (vector<8x1xf32>, vector<8x1xi32>, vector<8x1xi32>)  : i32 {
      %get3A_216 = arith.index_cast %scan3A_212 : i32 to index
      %get3A_217 = arith.constant 0 : index
      %get3A_218 = arith.constant 0 : index
      %get3A_219 = vector.load %arg0[%get3A_216, %get3A_217, %get3A_218] : memref<64x512x24xf32, #tpu.memory_space<vmem>>, vector<1x512x24xf32>
      %get3A_220 = vector.shape_cast %get3A_219 : vector<1x512x24xf32> to vector<512x24xf32>
      %get3A_221 = arith.constant 0 : index
      %get3A_222 = arith.constant 0 : index
      %get3A_223 = vector.load %arg2[%get3A_221, %get3A_222] : memref<24x4096xf32, #tpu.memory_space<vmem>>, vector<24x4096xf32>
      %dot_general3A_224 = arith.constant dense<0.000000e+00> : vector<512x4096xf32>
      %dot_general3A_225 = tpu.matmul %get3A_220, %get3A_223, %dot_general3A_224 {dimension_numbers = #tpu.dot_dimension_numbers<[1], [0], [0], [1], [0, 0, 1, 1], [], []>, transpose_lhs_hint = false} : vector<512x24xf32>, vector<24x4096xf32>, vector<512x4096xf32> -> vector<512x4096xf32>
      %reshape3A_226 = vector.shape_cast %dot_general3A_225 : vector<512x4096xf32> to vector<8x64x4096xf32>
      %get3A_227 = arith.index_cast %scan3A_212 : i32 to index
      %get3A_228 = arith.constant 0 : index
      %get3A_229 = arith.constant 0 : index
      %get3A_230 = vector.load %arg1[%get3A_227, %get3A_228, %get3A_229] : memref<64x8x64xf32, #tpu.memory_space<vmem>>, vector<1x8x64xf32>
      %get3A_231 = vector.shape_cast %get3A_230 : vector<1x8x64xf32> to vector<8x64xf32>
      %reshape3A_232 = vector.shape_cast %get3A_231 : vector<8x64xf32> to vector<8x64x1xf32>
      %reshape3A_233 = vector.shape_cast %get3A_1 : vector<8x4096xf32> to vector<8x1x4096xf32>
      %add3A_234 = vector.broadcast %reshape3A_232 : vector<8x64x1xf32> to vector<8x64x4096xf32>
      %add3A_235 = vector.broadcast %reshape3A_233 : vector<8x1x4096xf32> to vector<8x64x4096xf32>
      %add3A_236 = arith.addf %add3A_234, %add3A_235 : vector<8x64x4096xf32>
      %mul3A_237 = arith.constant 2.000000e+00 : f32
      %mul3A_238 = vector.broadcast %mul3A_237 : f32 to vector<8x64x4096xf32>
      %mul3A_239 = arith.mulf %mul3A_238, %reshape3A_226 : vector<8x64x4096xf32>
      %sub3A_240 = arith.subf %add3A_236, %mul3A_239 : vector<8x64x4096xf32>
      %max3A_241 = arith.constant 0.000000e+00 : f32
      %max3A_242 = vector.broadcast %max3A_241 : f32 to vector<8x64x4096xf32>
      %max3A_243 = arith.maximumf %sub3A_240, %max3A_242 : vector<8x64x4096xf32>
      %sqrt3A_244 = math.sqrt %max3A_243 : vector<8x64x4096xf32>
      %reduce_max3A = arith.constant dense<0xFF800000> : vector<8x64xf32>
      %reduce_max3A_245 = vector.multi_reduction <maximumf>, %sqrt3A_244, %reduce_max3A [2] : vector<8x64x4096xf32> to vector<8x64xf32>
      %broadcast_in_dim3A_246 = vector.shape_cast %reduce_max3A_245 : vector<8x64xf32> to vector<8x64x1xf32>
      %eq3A_247 = vector.broadcast %broadcast_in_dim3A_246 : vector<8x64x1xf32> to vector<8x64x4096xf32>
      %eq3A_248 = arith.cmpf oeq, %sqrt3A_244, %eq3A_247 : vector<8x64x4096xf32>
      %jit3A_249 = arith.constant 16777216 : i32
      %broadcast_in_dim3A_250 = vector.broadcast %jit3A_249 : i32 to vector<8x64x4096xi32>
      %select_n3A_251 = arith.select %eq3A_248, %iota3A_3, %broadcast_in_dim3A_250 : vector<8x64x4096xi1>, vector<8x64x4096xi32>
      %reduce_min3A = arith.constant dense<2147483647> : vector<8x64xi32>
      %reduce_min3A_252 = vector.multi_reduction <minsi>, %select_n3A_251, %reduce_min3A [2] : vector<8x64x4096xi32> to vector<8x64xi32>
      %broadcast_in_dim3A_253 = vector.shape_cast %reduce_min3A_252 : vector<8x64xi32> to vector<8x64x1xi32>
      %reduce_max3A_254 = arith.constant dense<0xFF800000> : vector<8x1xf32>
      %reduce_max3A_255 = vector.multi_reduction <maximumf>, %broadcast_in_dim3A_246, %reduce_max3A_254 [1] : vector<8x64x1xf32> to vector<8x1xf32>
      %squeeze3A = vector.shape_cast %broadcast_in_dim3A_246 : vector<8x64x1xf32> to vector<8x64xf32>
      %eq3A_256 = vector.broadcast %reduce_max3A_255 : vector<8x1xf32> to vector<8x64xf32>
      %eq3A_257 = arith.cmpf oeq, %squeeze3A, %eq3A_256 : vector<8x64xf32>
      %squeeze3A_258 = vector.shape_cast %iota3A_2 : vector<8x64x1xi32> to vector<8x64xi32>
      %jit3A_259 = arith.constant 16777216 : i32
      %broadcast_in_dim3A_260 = vector.broadcast %jit3A_259 : i32 to vector<8x64xi32>
      %select_n3A_261 = arith.select %eq3A_257, %squeeze3A_258, %broadcast_in_dim3A_260 : vector<8x64xi1>, vector<8x64xi32>
      %reduce_min3A_262 = arith.constant dense<2147483647> : vector<8xi32>
      %reduce_min3A_263 = vector.multi_reduction <minsi>, %select_n3A_261, %reduce_min3A_262 [1] : vector<8x64xi32> to vector<8xi32>
      %broadcast_in_dim3A_264 = vector.shape_cast %reduce_min3A_263 : vector<8xi32> to vector<8x1xi32>
      %squeeze3A_265 = vector.shape_cast %iota3A_2 : vector<8x64x1xi32> to vector<8x64xi32>
      %eq3A_266 = vector.broadcast %broadcast_in_dim3A_264 : vector<8x1xi32> to vector<8x64xi32>
      %eq3A_267 = arith.cmpi eq, %squeeze3A_265, %eq3A_266 : vector<8x64xi32>
      %squeeze3A_268 = vector.shape_cast %broadcast_in_dim3A_253 : vector<8x64x1xi32> to vector<8x64xi32>
      %jit3A_269 = arith.constant 16777216 : i32
      %broadcast_in_dim3A_270 = vector.broadcast %jit3A_269 : i32 to vector<8x64xi32>
      %select_n3A_271 = arith.select %eq3A_267, %squeeze3A_268, %broadcast_in_dim3A_270 : vector<8x64xi1>, vector<8x64xi32>
      %reduce_min3A_272 = arith.constant dense<2147483647> : vector<8xi32>
      %reduce_min3A_273 = vector.multi_reduction <minsi>, %select_n3A_271, %reduce_min3A_272 [1] : vector<8x64xi32> to vector<8xi32>
      %broadcast_in_dim3A_274 = vector.shape_cast %reduce_min3A_273 : vector<8xi32> to vector<8x1xi32>
      %gt3A = arith.cmpf ogt, %reduce_max3A_255, %scan3A_213 : vector<8x1xf32>
      %select_n3A_275 = arith.select %gt3A, %reduce_max3A_255, %scan3A_213 : vector<8x1xi1>, vector<8x1xf32>
      %mul3A_276 = arith.constant 64 : i32
      %mul3A_277 = arith.muli %scan3A_212, %mul3A_276 : i32
      %add3A_278 = vector.broadcast %mul3A_277 : i32 to vector<8x1xi32>
      %add3A_279 = arith.addi %add3A_278, %broadcast_in_dim3A_264 : vector<8x1xi32>
      %select_n3A_280 = arith.select %gt3A, %add3A_279, %scan3A_214 : vector<8x1xi1>, vector<8x1xi32>
      %select_n3A_281 = arith.select %gt3A, %broadcast_in_dim3A_274, %scan3A_215 : vector<8x1xi1>, vector<8x1xi32>
      scf.yield %select_n3A_275, %select_n3A_280, %select_n3A_281 : vector<8x1xf32>, vector<8x1xi32>, vector<8x1xi32>
    }
    %scan3A_13 = arith.constant 64 : i32
    %eq3A = vector.broadcast %scan3A_12#1 : vector<8x1xi32> to vector<8x4096xi32>
    %eq3A_14 = arith.cmpi eq, %iota3A, %eq3A : vector<8x4096xi32>
    %get3A_15 = arith.constant 0 : index
    %get3A_16 = arith.constant 0 : index
    %get3A_17 = vector.load %arg3[%get3A_15, %get3A_16] : memref<8x4096xf32, #tpu.memory_space<vmem>>, vector<8x4096xf32>
    %jit3A = arith.constant 0.000000e+00 : f32
    %broadcast_in_dim3A_18 = vector.broadcast %jit3A : f32 to vector<8x4096xf32>
    %select_n3A = arith.select %eq3A_14, %get3A_17, %broadcast_in_dim3A_18 : vector<8x4096xi1>, vector<8x4096xf32>
    %reduce_sum3A = arith.constant dense<0.000000e+00> : vector<8xf32>
    %reduce_sum3A_19 = vector.multi_reduction <add>, %select_n3A, %reduce_sum3A [1] : vector<8x4096xf32> to vector<8xf32>
    %broadcast_in_dim3A_20 = vector.shape_cast %reduce_sum3A_19 : vector<8xf32> to vector<8x1xf32>
    %get3A_21 = arith.constant 0 : index
    %get3A_22 = arith.constant 0 : index
    %get3A_23 = vector.load %arg4[%get3A_21, %get3A_22] : memref<8x4096xf32, #tpu.memory_space<vmem>>, vector<8x4096xf32>
    %jit3A_24 = arith.constant 0.000000e+00 : f32
    %broadcast_in_dim3A_25 = vector.broadcast %jit3A_24 : f32 to vector<8x4096xf32>
    %select_n3A_26 = arith.select %eq3A_14, %get3A_23, %broadcast_in_dim3A_25 : vector<8x4096xi1>, vector<8x4096xf32>
    %reduce_sum3A_27 = arith.constant dense<0.000000e+00> : vector<8xf32>
    %reduce_sum3A_28 = vector.multi_reduction <add>, %select_n3A_26, %reduce_sum3A_27 [1] : vector<8x4096xf32> to vector<8xf32>
    %broadcast_in_dim3A_29 = vector.shape_cast %reduce_sum3A_28 : vector<8xf32> to vector<8x1xf32>
    %get3A_30 = arith.constant 0 : index
    %get3A_31 = arith.constant 0 : index
    %get3A_32 = vector.load %arg5[%get3A_30, %get3A_31] : memref<8x4096xf32, #tpu.memory_space<vmem>>, vector<8x4096xf32>
    %jit3A_33 = arith.constant 0.000000e+00 : f32
    %broadcast_in_dim3A_34 = vector.broadcast %jit3A_33 : f32 to vector<8x4096xf32>
    %select_n3A_35 = arith.select %eq3A_14, %get3A_32, %broadcast_in_dim3A_34 : vector<8x4096xi1>, vector<8x4096xf32>
    %reduce_sum3A_36 = arith.constant dense<0.000000e+00> : vector<8xf32>
    %reduce_sum3A_37 = vector.multi_reduction <add>, %select_n3A_35, %reduce_sum3A_36 [1] : vector<8x4096xf32> to vector<8xf32>
    %broadcast_in_dim3A_38 = vector.shape_cast %reduce_sum3A_37 : vector<8xf32> to vector<8x1xf32>
    %jit3A_39 = arith.constant 0.000000e+00 : f32
    %broadcast_in_dim3A_40 = vector.broadcast %jit3A_39 : f32 to vector<8x4096xf32>
    %select_n3A_41 = arith.select %eq3A_14, %get3A_1, %broadcast_in_dim3A_40 : vector<8x4096xi1>, vector<8x4096xf32>
    %reduce_sum3A_42 = arith.constant dense<0.000000e+00> : vector<8xf32>
    %reduce_sum3A_43 = vector.multi_reduction <add>, %select_n3A_41, %reduce_sum3A_42 [1] : vector<8x4096xf32> to vector<8xf32>
    %broadcast_in_dim3A_44 = vector.shape_cast %reduce_sum3A_43 : vector<8xf32> to vector<8x1xf32>
    %iota3A_45 = tpu.iota {dimensions = array<i32: 1>} : vector<8x24xi32>
    %iota3A_46 = tpu.iota {dimensions = array<i32: 0>} : vector<8x24xi32>
    %mul3A = arith.constant 3 : i32
    %mul3A_47 = vector.broadcast %mul3A : i32 to vector<8x24xi32>
    %mul3A_48 = arith.muli %mul3A_47, %iota3A_46 : vector<8x24xi32>
    %eq3A_49 = arith.cmpi eq, %iota3A_45, %mul3A_48 : vector<8x24xi32>
    %jit3A_50 = arith.constant 0.000000e+00 : f32
    %broadcast_in_dim3A_51 = vector.shape_cast %broadcast_in_dim3A_20 : vector<8x1xf32> to vector<8x1xf32>
    %broadcast_in_dim3A_52 = vector.broadcast %broadcast_in_dim3A_51 : vector<8x1xf32> to vector<8x24xf32>
    %broadcast_in_dim3A_53 = vector.broadcast %jit3A_50 : f32 to vector<8x24xf32>
    %select_n3A_54 = arith.select %eq3A_49, %broadcast_in_dim3A_52, %broadcast_in_dim3A_53 : vector<8x24xi1>, vector<8x24xf32>
    %mul3A_55 = arith.constant 3 : i32
    %mul3A_56 = vector.broadcast %mul3A_55 : i32 to vector<8x24xi32>
    %mul3A_57 = arith.muli %mul3A_56, %iota3A_46 : vector<8x24xi32>
    %add3A = arith.constant 1 : i32
    %add3A_58 = vector.broadcast %add3A : i32 to vector<8x24xi32>
    %add3A_59 = arith.addi %mul3A_57, %add3A_58 : vector<8x24xi32>
    %eq3A_60 = arith.cmpi eq, %iota3A_45, %add3A_59 : vector<8x24xi32>
    %jit3A_61 = arith.constant 0.000000e+00 : f32
    %broadcast_in_dim3A_62 = vector.shape_cast %broadcast_in_dim3A_29 : vector<8x1xf32> to vector<8x1xf32>
    %broadcast_in_dim3A_63 = vector.broadcast %broadcast_in_dim3A_62 : vector<8x1xf32> to vector<8x24xf32>
    %broadcast_in_dim3A_64 = vector.broadcast %jit3A_61 : f32 to vector<8x24xf32>
    %select_n3A_65 = arith.select %eq3A_60, %broadcast_in_dim3A_63, %broadcast_in_dim3A_64 : vector<8x24xi1>, vector<8x24xf32>
    %add3A_66 = arith.addf %select_n3A_54, %select_n3A_65 : vector<8x24xf32>
    %mul3A_67 = arith.constant 3 : i32
    %mul3A_68 = vector.broadcast %mul3A_67 : i32 to vector<8x24xi32>
    %mul3A_69 = arith.muli %mul3A_68, %iota3A_46 : vector<8x24xi32>
    %add3A_70 = arith.constant 2 : i32
    %add3A_71 = vector.broadcast %add3A_70 : i32 to vector<8x24xi32>
    %add3A_72 = arith.addi %mul3A_69, %add3A_71 : vector<8x24xi32>
    %eq3A_73 = arith.cmpi eq, %iota3A_45, %add3A_72 : vector<8x24xi32>
    %jit3A_74 = arith.constant 0.000000e+00 : f32
    %broadcast_in_dim3A_75 = vector.shape_cast %broadcast_in_dim3A_38 : vector<8x1xf32> to vector<8x1xf32>
    %broadcast_in_dim3A_76 = vector.broadcast %broadcast_in_dim3A_75 : vector<8x1xf32> to vector<8x24xf32>
    %broadcast_in_dim3A_77 = vector.broadcast %jit3A_74 : f32 to vector<8x24xf32>
    %select_n3A_78 = arith.select %eq3A_73, %broadcast_in_dim3A_76, %broadcast_in_dim3A_77 : vector<8x24xi1>, vector<8x24xf32>
    %add3A_79 = arith.addf %add3A_66, %select_n3A_78 : vector<8x24xf32>
    %get3A_80 = arith.constant 0 : index
    %get3A_81 = arith.constant 0 : index
    %get3A_82 = vector.load %arg2[%get3A_80, %get3A_81] : memref<24x4096xf32, #tpu.memory_space<vmem>>, vector<24x4096xf32>
    %dot_general3A = arith.constant dense<0.000000e+00> : vector<8x4096xf32>
    %dot_general3A_83 = tpu.matmul %add3A_79, %get3A_82, %dot_general3A {dimension_numbers = #tpu.dot_dimension_numbers<[1], [0], [0], [1], [0, 0, 1, 1], [], []>, transpose_lhs_hint = false} : vector<8x24xf32>, vector<24x4096xf32>, vector<8x4096xf32> -> vector<8x4096xf32>
    %add3A_84 = vector.broadcast %broadcast_in_dim3A_44 : vector<8x1xf32> to vector<8x4096xf32>
    %add3A_85 = arith.addf %add3A_84, %get3A_1 : vector<8x4096xf32>
    %mul3A_86 = arith.constant 2.000000e+00 : f32
    %mul3A_87 = vector.broadcast %mul3A_86 : f32 to vector<8x4096xf32>
    %mul3A_88 = arith.mulf %mul3A_87, %dot_general3A_83 : vector<8x4096xf32>
    %sub3A = arith.subf %add3A_85, %mul3A_88 : vector<8x4096xf32>
    %max3A = arith.constant 0.000000e+00 : f32
    %max3A_89 = vector.broadcast %max3A : f32 to vector<8x4096xf32>
    %max3A_90 = arith.maximumf %sub3A, %max3A_89 : vector<8x4096xf32>
    %sqrt3A = math.sqrt %max3A_90 : vector<8x4096xf32>
    %reshape3A = vector.shape_cast %broadcast_in_dim3A_20 : vector<8x1xf32> to vector<1x8x1xf32>
    %swap3A = arith.constant 0 : index
    %swap3A_91 = arith.constant 0 : index
    %swap3A_92 = arith.constant 0 : index
    %swap3A_93 = vector.load %arg7[%swap3A, %swap3A_91, %swap3A_92] : memref<1024x8x1xf32, #tpu.memory_space<vmem>>, vector<1x8x1xf32>
    tpu.vector_store %arg7[%swap3A, %swap3A_91, %swap3A_92], %reshape3A {strides = array<i32>} : memref<1024x8x1xf32, #tpu.memory_space<vmem>>, vector<1x8x1xf32>,
    %reshape3A_94 = vector.shape_cast %broadcast_in_dim3A_29 : vector<8x1xf32> to vector<1x8x1xf32>
    %swap3A_95 = arith.constant 0 : index
    %swap3A_96 = arith.constant 0 : index
    %swap3A_97 = arith.constant 0 : index
    %swap3A_98 = vector.load %arg8[%swap3A_95, %swap3A_96, %swap3A_97] : memref<1024x8x1xf32, #tpu.memory_space<vmem>>, vector<1x8x1xf32>
    tpu.vector_store %arg8[%swap3A_95, %swap3A_96, %swap3A_97], %reshape3A_94 {strides = array<i32>} : memref<1024x8x1xf32, #tpu.memory_space<vmem>>, vector<1x8x1xf32>,
    %reshape3A_99 = vector.shape_cast %broadcast_in_dim3A_38 : vector<8x1xf32> to vector<1x8x1xf32>
    %swap3A_100 = arith.constant 0 : index
    %swap3A_101 = arith.constant 0 : index
    %swap3A_102 = arith.constant 0 : index
    %swap3A_103 = vector.load %arg9[%swap3A_100, %swap3A_101, %swap3A_102] : memref<1024x8x1xf32, #tpu.memory_space<vmem>>, vector<1x8x1xf32>
    tpu.vector_store %arg9[%swap3A_100, %swap3A_101, %swap3A_102], %reshape3A_99 {strides = array<i32>} : memref<1024x8x1xf32, #tpu.memory_space<vmem>>, vector<1x8x1xf32>,
    %eq3A_104 = vector.broadcast %scan3A_12#2 : vector<8x1xi32> to vector<8x4096xi32>
    %eq3A_105 = arith.cmpi eq, %iota3A, %eq3A_104 : vector<8x4096xi32>
    %get3A_106 = arith.constant 0 : index
    %get3A_107 = arith.constant 0 : index
    %get3A_108 = vector.load %arg3[%get3A_106, %get3A_107] : memref<8x4096xf32, #tpu.memory_space<vmem>>, vector<8x4096xf32>
    %jit3A_109 = arith.constant 0.000000e+00 : f32
    %broadcast_in_dim3A_110 = vector.broadcast %jit3A_109 : f32 to vector<8x4096xf32>
    %select_n3A_111 = arith.select %eq3A_105, %get3A_108, %broadcast_in_dim3A_110 : vector<8x4096xi1>, vector<8x4096xf32>
    %reduce_sum3A_112 = arith.constant dense<0.000000e+00> : vector<8xf32>
    %reduce_sum3A_113 = vector.multi_reduction <add>, %select_n3A_111, %reduce_sum3A_112 [1] : vector<8x4096xf32> to vector<8xf32>
    %broadcast_in_dim3A_114 = vector.shape_cast %reduce_sum3A_113 : vector<8xf32> to vector<8x1xf32>
    %get3A_115 = arith.constant 0 : index
    %get3A_116 = arith.constant 0 : index
    %get3A_117 = vector.load %arg4[%get3A_115, %get3A_116] : memref<8x4096xf32, #tpu.memory_space<vmem>>, vector<8x4096xf32>
    %jit3A_118 = arith.constant 0.000000e+00 : f32
    %broadcast_in_dim3A_119 = vector.broadcast %jit3A_118 : f32 to vector<8x4096xf32>
    %select_n3A_120 = arith.select %eq3A_105, %get3A_117, %broadcast_in_dim3A_119 : vector<8x4096xi1>, vector<8x4096xf32>
    %reduce_sum3A_121 = arith.constant dense<0.000000e+00> : vector<8xf32>
    %reduce_sum3A_122 = vector.multi_reduction <add>, %select_n3A_120, %reduce_sum3A_121 [1] : vector<8x4096xf32> to vector<8xf32>
    %broadcast_in_dim3A_123 = vector.shape_cast %reduce_sum3A_122 : vector<8xf32> to vector<8x1xf32>
    %get3A_124 = arith.constant 0 : index
    %get3A_125 = arith.constant 0 : index
    %get3A_126 = vector.load %arg5[%get3A_124, %get3A_125] : memref<8x4096xf32, #tpu.memory_space<vmem>>, vector<8x4096xf32>
    %jit3A_127 = arith.constant 0.000000e+00 : f32
    %broadcast_in_dim3A_128 = vector.broadcast %jit3A_127 : f32 to vector<8x4096xf32>
    %select_n3A_129 = arith.select %eq3A_105, %get3A_126, %broadcast_in_dim3A_128 : vector<8x4096xi1>, vector<8x4096xf32>
    %reduce_sum3A_130 = arith.constant dense<0.000000e+00> : vector<8xf32>
    %reduce_sum3A_131 = vector.multi_reduction <add>, %select_n3A_129, %reduce_sum3A_130 [1] : vector<8x4096xf32> to vector<8xf32>
    %broadcast_in_dim3A_132 = vector.shape_cast %reduce_sum3A_131 : vector<8xf32> to vector<8x1xf32>
    %jit3A_133 = arith.constant 0.000000e+00 : f32
    %broadcast_in_dim3A_134 = vector.broadcast %jit3A_133 : f32 to vector<8x4096xf32>
    %select_n3A_135 = arith.select %eq3A_105, %get3A_1, %broadcast_in_dim3A_134 : vector<8x4096xi1>, vector<8x4096xf32>
    %reduce_sum3A_136 = arith.constant dense<0.000000e+00> : vector<8xf32>
    %reduce_sum3A_137 = vector.multi_reduction <add>, %select_n3A_135, %reduce_sum3A_136 [1] : vector<8x4096xf32> to vector<8xf32>
    %broadcast_in_dim3A_138 = vector.shape_cast %reduce_sum3A_137 : vector<8xf32> to vector<8x1xf32>
    %iota3A_139 = tpu.iota {dimensions = array<i32: 1>} : vector<8x24xi32>
    %iota3A_140 = tpu.iota {dimensions = array<i32: 0>} : vector<8x24xi32>
    %mul3A_141 = arith.constant 3 : i32
    %mul3A_142 = vector.broadcast %mul3A_141 : i32 to vector<8x24xi32>
    %mul3A_143 = arith.muli %mul3A_142, %iota3A_140 : vector<8x24xi32>
    %eq3A_144 = arith.cmpi eq, %iota3A_139, %mul3A_143 : vector<8x24xi32>
    %jit3A_145 = arith.constant 0.000000e+00 : f32
    %broadcast_in_dim3A_146 = vector.shape_cast %broadcast_in_dim3A_114 : vector<8x1xf32> to vector<8x1xf32>
    %broadcast_in_dim3A_147 = vector.broadcast %broadcast_in_dim3A_146 : vector<8x1xf32> to vector<8x24xf32>
    %broadcast_in_dim3A_148 = vector.broadcast %jit3A_145 : f32 to vector<8x24xf32>
    %select_n3A_149 = arith.select %eq3A_144, %broadcast_in_dim3A_147, %broadcast_in_dim3A_148 : vector<8x24xi1>, vector<8x24xf32>
    %mul3A_150 = arith.constant 3 : i32
    %mul3A_151 = vector.broadcast %mul3A_150 : i32 to vector<8x24xi32>
    %mul3A_152 = arith.muli %mul3A_151, %iota3A_140 : vector<8x24xi32>
    %add3A_153 = arith.constant 1 : i32
    %add3A_154 = vector.broadcast %add3A_153 : i32 to vector<8x24xi32>
    %add3A_155 = arith.addi %mul3A_152, %add3A_154 : vector<8x24xi32>
    %eq3A_156 = arith.cmpi eq, %iota3A_139, %add3A_155 : vector<8x24xi32>
    %jit3A_157 = arith.constant 0.000000e+00 : f32
    %broadcast_in_dim3A_158 = vector.shape_cast %broadcast_in_dim3A_123 : vector<8x1xf32> to vector<8x1xf32>
    %broadcast_in_dim3A_159 = vector.broadcast %broadcast_in_dim3A_158 : vector<8x1xf32> to vector<8x24xf32>
    %broadcast_in_dim3A_160 = vector.broadcast %jit3A_157 : f32 to vector<8x24xf32>
    %select_n3A_161 = arith.select %eq3A_156, %broadcast_in_dim3A_159, %broadcast_in_dim3A_160 : vector<8x24xi1>, vector<8x24xf32>
    %add3A_162 = arith.addf %select_n3A_149, %select_n3A_161 : vector<8x24xf32>
    %mul3A_163 = arith.constant 3 : i32
    %mul3A_164 = vector.broadcast %mul3A_163 : i32 to vector<8x24xi32>
    %mul3A_165 = arith.muli %mul3A_164, %iota3A_140 : vector<8x24xi32>
    %add3A_166 = arith.constant 2 : i32
    %add3A_167 = vector.broadcast %add3A_166 : i32 to vector<8x24xi32>
    %add3A_168 = arith.addi %mul3A_165, %add3A_167 : vector<8x24xi32>
    %eq3A_169 = arith.cmpi eq, %iota3A_139, %add3A_168 : vector<8x24xi32>
    %jit3A_170 = arith.constant 0.000000e+00 : f32
    %broadcast_in_dim3A_171 = vector.shape_cast %broadcast_in_dim3A_132 : vector<8x1xf32> to vector<8x1xf32>
    %broadcast_in_dim3A_172 = vector.broadcast %broadcast_in_dim3A_171 : vector<8x1xf32> to vector<8x24xf32>
    %broadcast_in_dim3A_173 = vector.broadcast %jit3A_170 : f32 to vector<8x24xf32>
    %select_n3A_174 = arith.select %eq3A_169, %broadcast_in_dim3A_172, %broadcast_in_dim3A_173 : vector<8x24xi1>, vector<8x24xf32>
    %add3A_175 = arith.addf %add3A_162, %select_n3A_174 : vector<8x24xf32>
    %get3A_176 = arith.constant 0 : index
    %get3A_177 = arith.constant 0 : index
    %get3A_178 = vector.load %arg2[%get3A_176, %get3A_177] : memref<24x4096xf32, #tpu.memory_space<vmem>>, vector<24x4096xf32>
    %dot_general3A_179 = arith.constant dense<0.000000e+00> : vector<8x4096xf32>
    %dot_general3A_180 = tpu.matmul %add3A_175, %get3A_178, %dot_general3A_179 {dimension_numbers = #tpu.dot_dimension_numbers<[1], [0], [0], [1], [0, 0, 1, 1], [], []>, transpose_lhs_hint = false} : vector<8x24xf32>, vector<24x4096xf32>, vector<8x4096xf32> -> vector<8x4096xf32>
    %add3A_181 = vector.broadcast %broadcast_in_dim3A_138 : vector<8x1xf32> to vector<8x4096xf32>
    %add3A_182 = arith.addf %add3A_181, %get3A_1 : vector<8x4096xf32>
    %mul3A_183 = arith.constant 2.000000e+00 : f32
    %mul3A_184 = vector.broadcast %mul3A_183 : f32 to vector<8x4096xf32>
    %mul3A_185 = arith.mulf %mul3A_184, %dot_general3A_180 : vector<8x4096xf32>
    %sub3A_186 = arith.subf %add3A_182, %mul3A_185 : vector<8x4096xf32>
    %max3A_187 = arith.constant 0.000000e+00 : f32
    %max3A_188 = vector.broadcast %max3A_187 : f32 to vector<8x4096xf32>
    %max3A_189 = arith.maximumf %sub3A_186, %max3A_188 : vector<8x4096xf32>
    %sqrt3A_190 = math.sqrt %max3A_189 : vector<8x4096xf32>
    %reshape3A_191 = vector.shape_cast %broadcast_in_dim3A_114 : vector<8x1xf32> to vector<1x8x1xf32>
    %swap3A_192 = arith.constant 1 : index
    %swap3A_193 = arith.constant 0 : index
    %swap3A_194 = arith.constant 0 : index
    %swap3A_195 = vector.load %arg7[%swap3A_192, %swap3A_193, %swap3A_194] : memref<1024x8x1xf32, #tpu.memory_space<vmem>>, vector<1x8x1xf32>
    tpu.vector_store %arg7[%swap3A_192, %swap3A_193, %swap3A_194], %reshape3A_191 {strides = array<i32>} : memref<1024x8x1xf32, #tpu.memory_space<vmem>>, vector<1x8x1xf32>,
    %reshape3A_196 = vector.shape_cast %broadcast_in_dim3A_123 : vector<8x1xf32> to vector<1x8x1xf32>
    %swap3A_197 = arith.constant 1 : index
    %swap3A_198 = arith.constant 0 : index
    %swap3A_199 = arith.constant 0 : index
    %swap3A_200 = vector.load %arg8[%swap3A_197, %swap3A_198, %swap3A_199] : memref<1024x8x1xf32, #tpu.memory_space<vmem>>, vector<1x8x1xf32>
    tpu.vector_store %arg8[%swap3A_197, %swap3A_198, %swap3A_199], %reshape3A_196 {strides = array<i32>} : memref<1024x8x1xf32, #tpu.memory_space<vmem>>, vector<1x8x1xf32>,
    %reshape3A_201 = vector.shape_cast %broadcast_in_dim3A_132 : vector<8x1xf32> to vector<1x8x1xf32>
    %swap3A_202 = arith.constant 1 : index
    %swap3A_203 = arith.constant 0 : index
    %swap3A_204 = arith.constant 0 : index
    %swap3A_205 = vector.load %arg9[%swap3A_202, %swap3A_203, %swap3A_204] : memref<1024x8x1xf32, #tpu.memory_space<vmem>>, vector<1x8x1xf32>
    tpu.vector_store %arg9[%swap3A_202, %swap3A_203, %swap3A_204], %reshape3A_201 {strides = array<i32>} : memref<1024x8x1xf32, #tpu.memory_space<vmem>>, vector<1x8x1xf32>,
    %min3A = arith.minimumf %sqrt3A_190, %sqrt3A : vector<8x4096xf32>
    %scan3A_206 = arith.constant 2 : i32
    %scan3A_207 = arith.constant 1022 : i32
    %scan3A_208 = arith.addi %scan3A_206, %scan3A_207 : i32
    %scan3A_209 = arith.constant 1 : i32
    %scan3A_210 = scf.for %scan3A_212 = %scan3A_206 to %scan3A_208 step %scan3A_209 iter_args(%scan3A_213 = %min3A) -> (vector<8x4096xf32>)  : i32 {
      %reduce_max3A = arith.constant dense<0xFF800000> : vector<8xf32>
      %reduce_max3A_214 = vector.multi_reduction <maximumf>, %scan3A_213, %reduce_max3A [1] : vector<8x4096xf32> to vector<8xf32>
      %broadcast_in_dim3A_215 = vector.shape_cast %reduce_max3A_214 : vector<8xf32> to vector<8x1xf32>
      %eq3A_216 = vector.broadcast %broadcast_in_dim3A_215 : vector<8x1xf32> to vector<8x4096xf32>
      %eq3A_217 = arith.cmpf oeq, %scan3A_213, %eq3A_216 : vector<8x4096xf32>
      %jit3A_218 = arith.constant 4096 : i32
      %broadcast_in_dim3A_219 = vector.broadcast %jit3A_218 : i32 to vector<8x4096xi32>
      %select_n3A_220 = arith.select %eq3A_217, %iota3A, %broadcast_in_dim3A_219 : vector<8x4096xi1>, vector<8x4096xi32>
      %reduce_min3A = arith.constant dense<2147483647> : vector<8xi32>
      %reduce_min3A_221 = vector.multi_reduction <minsi>, %select_n3A_220, %reduce_min3A [1] : vector<8x4096xi32> to vector<8xi32>
      %broadcast_in_dim3A_222 = vector.shape_cast %reduce_min3A_221 : vector<8xi32> to vector<8x1xi32>
      %eq3A_223 = vector.broadcast %broadcast_in_dim3A_222 : vector<8x1xi32> to vector<8x4096xi32>
      %eq3A_224 = arith.cmpi eq, %iota3A, %eq3A_223 : vector<8x4096xi32>
      %get3A_225 = arith.constant 0 : index
      %get3A_226 = arith.constant 0 : index
      %get3A_227 = vector.load %arg3[%get3A_225, %get3A_226] : memref<8x4096xf32, #tpu.memory_space<vmem>>, vector<8x4096xf32>
      %jit3A_228 = arith.constant 0.000000e+00 : f32
      %broadcast_in_dim3A_229 = vector.broadcast %jit3A_228 : f32 to vector<8x4096xf32>
      %select_n3A_230 = arith.select %eq3A_224, %get3A_227, %broadcast_in_dim3A_229 : vector<8x4096xi1>, vector<8x4096xf32>
      %reduce_sum3A_231 = arith.constant dense<0.000000e+00> : vector<8xf32>
      %reduce_sum3A_232 = vector.multi_reduction <add>, %select_n3A_230, %reduce_sum3A_231 [1] : vector<8x4096xf32> to vector<8xf32>
      %broadcast_in_dim3A_233 = vector.shape_cast %reduce_sum3A_232 : vector<8xf32> to vector<8x1xf32>
      %get3A_234 = arith.constant 0 : index
      %get3A_235 = arith.constant 0 : index
      %get3A_236 = vector.load %arg4[%get3A_234, %get3A_235] : memref<8x4096xf32, #tpu.memory_space<vmem>>, vector<8x4096xf32>
      %jit3A_237 = arith.constant 0.000000e+00 : f32
      %broadcast_in_dim3A_238 = vector.broadcast %jit3A_237 : f32 to vector<8x4096xf32>
      %select_n3A_239 = arith.select %eq3A_224, %get3A_236, %broadcast_in_dim3A_238 : vector<8x4096xi1>, vector<8x4096xf32>
      %reduce_sum3A_240 = arith.constant dense<0.000000e+00> : vector<8xf32>
      %reduce_sum3A_241 = vector.multi_reduction <add>, %select_n3A_239, %reduce_sum3A_240 [1] : vector<8x4096xf32> to vector<8xf32>
      %broadcast_in_dim3A_242 = vector.shape_cast %reduce_sum3A_241 : vector<8xf32> to vector<8x1xf32>
      %get3A_243 = arith.constant 0 : index
      %get3A_244 = arith.constant 0 : index
      %get3A_245 = vector.load %arg5[%get3A_243, %get3A_244] : memref<8x4096xf32, #tpu.memory_space<vmem>>, vector<8x4096xf32>
      %jit3A_246 = arith.constant 0.000000e+00 : f32
      %broadcast_in_dim3A_247 = vector.broadcast %jit3A_246 : f32 to vector<8x4096xf32>
      %select_n3A_248 = arith.select %eq3A_224, %get3A_245, %broadcast_in_dim3A_247 : vector<8x4096xi1>, vector<8x4096xf32>
      %reduce_sum3A_249 = arith.constant dense<0.000000e+00> : vector<8xf32>
      %reduce_sum3A_250 = vector.multi_reduction <add>, %select_n3A_248, %reduce_sum3A_249 [1] : vector<8x4096xf32> to vector<8xf32>
      %broadcast_in_dim3A_251 = vector.shape_cast %reduce_sum3A_250 : vector<8xf32> to vector<8x1xf32>
      %jit3A_252 = arith.constant 0.000000e+00 : f32
      %broadcast_in_dim3A_253 = vector.broadcast %jit3A_252 : f32 to vector<8x4096xf32>
      %select_n3A_254 = arith.select %eq3A_224, %get3A_1, %broadcast_in_dim3A_253 : vector<8x4096xi1>, vector<8x4096xf32>
      %reduce_sum3A_255 = arith.constant dense<0.000000e+00> : vector<8xf32>
      %reduce_sum3A_256 = vector.multi_reduction <add>, %select_n3A_254, %reduce_sum3A_255 [1] : vector<8x4096xf32> to vector<8xf32>
      %broadcast_in_dim3A_257 = vector.shape_cast %reduce_sum3A_256 : vector<8xf32> to vector<8x1xf32>
      %iota3A_258 = tpu.iota {dimensions = array<i32: 1>} : vector<8x24xi32>
      %iota3A_259 = tpu.iota {dimensions = array<i32: 0>} : vector<8x24xi32>
      %mul3A_260 = arith.constant 3 : i32
      %mul3A_261 = vector.broadcast %mul3A_260 : i32 to vector<8x24xi32>
      %mul3A_262 = arith.muli %mul3A_261, %iota3A_259 : vector<8x24xi32>
      %eq3A_263 = arith.cmpi eq, %iota3A_258, %mul3A_262 : vector<8x24xi32>
      %jit3A_264 = arith.constant 0.000000e+00 : f32
      %broadcast_in_dim3A_265 = vector.shape_cast %broadcast_in_dim3A_233 : vector<8x1xf32> to vector<8x1xf32>
      %broadcast_in_dim3A_266 = vector.broadcast %broadcast_in_dim3A_265 : vector<8x1xf32> to vector<8x24xf32>
      %broadcast_in_dim3A_267 = vector.broadcast %jit3A_264 : f32 to vector<8x24xf32>
      %select_n3A_268 = arith.select %eq3A_263, %broadcast_in_dim3A_266, %broadcast_in_dim3A_267 : vector<8x24xi1>, vector<8x24xf32>
      %mul3A_269 = arith.constant 3 : i32
      %mul3A_270 = vector.broadcast %mul3A_269 : i32 to vector<8x24xi32>
      %mul3A_271 = arith.muli %mul3A_270, %iota3A_259 : vector<8x24xi32>
      %add3A_272 = arith.constant 1 : i32
      %add3A_273 = vector.broadcast %add3A_272 : i32 to vector<8x24xi32>
      %add3A_274 = arith.addi %mul3A_271, %add3A_273 : vector<8x24xi32>
      %eq3A_275 = arith.cmpi eq, %iota3A_258, %add3A_274 : vector<8x24xi32>
      %jit3A_276 = arith.constant 0.000000e+00 : f32
      %broadcast_in_dim3A_277 = vector.shape_cast %broadcast_in_dim3A_242 : vector<8x1xf32> to vector<8x1xf32>
      %broadcast_in_dim3A_278 = vector.broadcast %broadcast_in_dim3A_277 : vector<8x1xf32> to vector<8x24xf32>
      %broadcast_in_dim3A_279 = vector.broadcast %jit3A_276 : f32 to vector<8x24xf32>
      %select_n3A_280 = arith.select %eq3A_275, %broadcast_in_dim3A_278, %broadcast_in_dim3A_279 : vector<8x24xi1>, vector<8x24xf32>
      %add3A_281 = arith.addf %select_n3A_268, %select_n3A_280 : vector<8x24xf32>
      %mul3A_282 = arith.constant 3 : i32
      %mul3A_283 = vector.broadcast %mul3A_282 : i32 to vector<8x24xi32>
      %mul3A_284 = arith.muli %mul3A_283, %iota3A_259 : vector<8x24xi32>
      %add3A_285 = arith.constant 2 : i32
      %add3A_286 = vector.broadcast %add3A_285 : i32 to vector<8x24xi32>
      %add3A_287 = arith.addi %mul3A_284, %add3A_286 : vector<8x24xi32>
      %eq3A_288 = arith.cmpi eq, %iota3A_258, %add3A_287 : vector<8x24xi32>
      %jit3A_289 = arith.constant 0.000000e+00 : f32
      %broadcast_in_dim3A_290 = vector.shape_cast %broadcast_in_dim3A_251 : vector<8x1xf32> to vector<8x1xf32>
      %broadcast_in_dim3A_291 = vector.broadcast %broadcast_in_dim3A_290 : vector<8x1xf32> to vector<8x24xf32>
      %broadcast_in_dim3A_292 = vector.broadcast %jit3A_289 : f32 to vector<8x24xf32>
      %select_n3A_293 = arith.select %eq3A_288, %broadcast_in_dim3A_291, %broadcast_in_dim3A_292 : vector<8x24xi1>, vector<8x24xf32>
      %add3A_294 = arith.addf %add3A_281, %select_n3A_293 : vector<8x24xf32>
      %get3A_295 = arith.constant 0 : index
      %get3A_296 = arith.constant 0 : index
      %get3A_297 = vector.load %arg2[%get3A_295, %get3A_296] : memref<24x4096xf32, #tpu.memory_space<vmem>>, vector<24x4096xf32>
      %dot_general3A_298 = arith.constant dense<0.000000e+00> : vector<8x4096xf32>
      %dot_general3A_299 = tpu.matmul %add3A_294, %get3A_297, %dot_general3A_298 {dimension_numbers = #tpu.dot_dimension_numbers<[1], [0], [0], [1], [0, 0, 1, 1], [], []>, transpose_lhs_hint = false} : vector<8x24xf32>, vector<24x4096xf32>, vector<8x4096xf32> -> vector<8x4096xf32>
      %add3A_300 = vector.broadcast %broadcast_in_dim3A_257 : vector<8x1xf32> to vector<8x4096xf32>
      %add3A_301 = arith.addf %add3A_300, %get3A_1 : vector<8x4096xf32>
      %mul3A_302 = arith.constant 2.000000e+00 : f32
      %mul3A_303 = vector.broadcast %mul3A_302 : f32 to vector<8x4096xf32>
      %mul3A_304 = arith.mulf %mul3A_303, %dot_general3A_299 : vector<8x4096xf32>
      %sub3A_305 = arith.subf %add3A_301, %mul3A_304 : vector<8x4096xf32>
      %max3A_306 = arith.constant 0.000000e+00 : f32
      %max3A_307 = vector.broadcast %max3A_306 : f32 to vector<8x4096xf32>
      %max3A_308 = arith.maximumf %sub3A_305, %max3A_307 : vector<8x4096xf32>
      %sqrt3A_309 = math.sqrt %max3A_308 : vector<8x4096xf32>
      %reshape3A_310 = vector.shape_cast %broadcast_in_dim3A_233 : vector<8x1xf32> to vector<1x8x1xf32>
      %swap3A_311 = arith.index_cast %scan3A_212 : i32 to index
      %swap3A_312 = arith.constant 0 : index
      %swap3A_313 = arith.constant 0 : index
      %swap3A_314 = vector.load %arg7[%swap3A_311, %swap3A_312, %swap3A_313] : memref<1024x8x1xf32, #tpu.memory_space<vmem>>, vector<1x8x1xf32>
      tpu.vector_store %arg7[%swap3A_311, %swap3A_312, %swap3A_313], %reshape3A_310 {strides = array<i32>} : memref<1024x8x1xf32, #tpu.memory_space<vmem>>, vector<1x8x1xf32>,
      %reshape3A_315 = vector.shape_cast %broadcast_in_dim3A_242 : vector<8x1xf32> to vector<1x8x1xf32>
      %swap3A_316 = arith.index_cast %scan3A_212 : i32 to index
      %swap3A_317 = arith.constant 0 : index
      %swap3A_318 = arith.constant 0 : index
      %swap3A_319 = vector.load %arg8[%swap3A_316, %swap3A_317, %swap3A_318] : memref<1024x8x1xf32, #tpu.memory_space<vmem>>, vector<1x8x1xf32>
      tpu.vector_store %arg8[%swap3A_316, %swap3A_317, %swap3A_318], %reshape3A_315 {strides = array<i32>} : memref<1024x8x1xf32, #tpu.memory_space<vmem>>, vector<1x8x1xf32>,
      %reshape3A_320 = vector.shape_cast %broadcast_in_dim3A_251 : vector<8x1xf32> to vector<1x8x1xf32>
      %swap3A_321 = arith.index_cast %scan3A_212 : i32 to index
      %swap3A_322 = arith.constant 0 : index
      %swap3A_323 = arith.constant 0 : index
      %swap3A_324 = vector.load %arg9[%swap3A_321, %swap3A_322, %swap3A_323] : memref<1024x8x1xf32, #tpu.memory_space<vmem>>, vector<1x8x1xf32>
      tpu.vector_store %arg9[%swap3A_321, %swap3A_322, %swap3A_323], %reshape3A_320 {strides = array<i32>} : memref<1024x8x1xf32, #tpu.memory_space<vmem>>, vector<1x8x1xf32>,
      %min3A_325 = arith.minimumf %scan3A_213, %sqrt3A_309 : vector<8x4096xf32>
      scf.yield %min3A_325 : vector<8x4096xf32>
    }
    %scan3A_211 = arith.constant 1022 : i32
    return
  }
}

module attributes {stable_mosaic.version = 14 : i64} {
  func.func @_bq_dist_kernel(%arg0: i32, %arg1: i32, %arg2: memref<1x128x3xf32, #tpu.memory_space<vmem>>, %arg3: memref<1x128x1xf32, #tpu.memory_space<vmem>>, %arg4: memref<1x3x4096xf32, #tpu.memory_space<vmem>>, %arg5: memref<1x1x4096xf32, #tpu.memory_space<vmem>>, %arg6: memref<1x128x4096xf32, #tpu.memory_space<vmem>>) attributes {dimension_semantics = [#tpu.dimension_semantics<arbitrary>, #tpu.dimension_semantics<arbitrary>], iteration_bounds = array<i64: 8, 8>, scalar_prefetch = 0 : i64, scratch_operands = 0 : i64, tpu.core_type = #tpu.core_type<tc>, window_params = [{transform_indices = @transform_0, window_bounds = array<i64: 1, 128, 3>}, {transform_indices = @transform_1, window_bounds = array<i64: 1, 128, 1>}, {transform_indices = @transform_2, window_bounds = array<i64: 1, 3, 4096>}, {transform_indices = @transform_3, window_bounds = array<i64: 1, 1, 4096>}, {transform_indices = @transform_4, window_bounds = array<i64: 1, 128, 4096>}]} {
    %get3A = arith.constant 0 : index
    %get3A_0 = arith.constant 0 : index
    %get3A_1 = arith.constant 0 : index
    %get3A_2 = vector.load %arg2[%get3A, %get3A_0, %get3A_1] : memref<1x128x3xf32, #tpu.memory_space<vmem>>, vector<1x128x3xf32>
    %get3A_3 = vector.shape_cast %get3A_2 : vector<1x128x3xf32> to vector<128x3xf32>
    %get3A_4 = arith.constant 0 : index
    %get3A_5 = arith.constant 0 : index
    %get3A_6 = arith.constant 0 : index
    %get3A_7 = vector.load %arg4[%get3A_4, %get3A_5, %get3A_6] : memref<1x3x4096xf32, #tpu.memory_space<vmem>>, vector<1x3x4096xf32>
    %get3A_8 = vector.shape_cast %get3A_7 : vector<1x3x4096xf32> to vector<3x4096xf32>
    %dot_general3A = arith.constant dense<0.000000e+00> : vector<128x4096xf32>
    %dot_general3A_9 = tpu.matmul %get3A_3, %get3A_8, %dot_general3A {dimension_numbers = #tpu.dot_dimension_numbers<[1], [0], [0], [1], [0, 0, 1, 1], [], []>, transpose_lhs_hint = false} : vector<128x3xf32>, vector<3x4096xf32>, vector<128x4096xf32> -> vector<128x4096xf32>
    %get3A_10 = arith.constant 0 : index
    %get3A_11 = arith.constant 0 : index
    %get3A_12 = arith.constant 0 : index
    %get3A_13 = vector.load %arg3[%get3A_10, %get3A_11, %get3A_12] : memref<1x128x1xf32, #tpu.memory_space<vmem>>, vector<1x128x1xf32>
    %get3A_14 = vector.shape_cast %get3A_13 : vector<1x128x1xf32> to vector<128x1xf32>
    %get3A_15 = arith.constant 0 : index
    %get3A_16 = arith.constant 0 : index
    %get3A_17 = arith.constant 0 : index
    %get3A_18 = vector.load %arg5[%get3A_15, %get3A_16, %get3A_17] : memref<1x1x4096xf32, #tpu.memory_space<vmem>>, vector<1x1x4096xf32>
    %get3A_19 = vector.shape_cast %get3A_18 : vector<1x1x4096xf32> to vector<1x4096xf32>
    %add3A = vector.broadcast %get3A_14 : vector<128x1xf32> to vector<128x4096xf32>
    %add3A_20 = vector.broadcast %get3A_19 : vector<1x4096xf32> to vector<128x4096xf32>
    %add3A_21 = arith.addf %add3A, %add3A_20 : vector<128x4096xf32>
    %mul3A = arith.constant 2.000000e+00 : f32
    %mul3A_22 = vector.broadcast %mul3A : f32 to vector<128x4096xf32>
    %mul3A_23 = arith.mulf %mul3A_22, %dot_general3A_9 : vector<128x4096xf32>
    %sub3A = arith.subf %add3A_21, %mul3A_23 : vector<128x4096xf32>
    %max3A = arith.constant 0.000000e+00 : f32
    %max3A_24 = vector.broadcast %max3A : f32 to vector<128x4096xf32>
    %max3A_25 = arith.maximumf %sub3A, %max3A_24 : vector<128x4096xf32>
    %sqrt3A = math.sqrt %max3A_25 : vector<128x4096xf32>
    %swap3A = arith.constant 0 : index
    %swap3A_26 = arith.constant 0 : index
    %swap3A_27 = arith.constant 0 : index
    %swap3A_28 = vector.load %arg6[%swap3A, %swap3A_26, %swap3A_27] : memref<1x128x4096xf32, #tpu.memory_space<vmem>>, vector<1x128x4096xf32>
    %swap3A_29 = vector.shape_cast %swap3A_28 : vector<1x128x4096xf32> to vector<128x4096xf32>
    %swap3A_30 = vector.shape_cast %sqrt3A : vector<128x4096xf32> to vector<1x128x4096xf32>
    tpu.vector_store %arg6[%swap3A, %swap3A_26, %swap3A_27], %swap3A_30 {strides = array<i32>} : memref<1x128x4096xf32, #tpu.memory_space<vmem>>, vector<1x128x4096xf32>,
    return
  }
  func.func @transform_0(%arg0: i32, %arg1: i32) -> (i32, i32, i32) {
    %c0_i32 = arith.constant 0 : i32
    %c0_i32_0 = arith.constant 0 : i32
    return %arg0, %arg1, %c0_i32 : i32, i32, i32
  }
  func.func @transform_1(%arg0: i32, %arg1: i32) -> (i32, i32, i32) {
    %c0_i32 = arith.constant 0 : i32
    %c0_i32_0 = arith.constant 0 : i32
    return %arg0, %arg1, %c0_i32 : i32, i32, i32
  }
  func.func @transform_2(%arg0: i32, %arg1: i32) -> (i32, i32, i32) {
    %c0_i32 = arith.constant 0 : i32
    %c0_i32_0 = arith.constant 0 : i32
    %c0_i32_1 = arith.constant 0 : i32
    return %arg0, %c0_i32, %c0_i32_0 : i32, i32, i32
  }
  func.func @transform_3(%arg0: i32, %arg1: i32) -> (i32, i32, i32) {
    %c0_i32 = arith.constant 0 : i32
    %c0_i32_0 = arith.constant 0 : i32
    %c0_i32_1 = arith.constant 0 : i32
    return %arg0, %c0_i32, %c0_i32_0 : i32, i32, i32
  }
  func.func @transform_4(%arg0: i32, %arg1: i32) -> (i32, i32, i32) {
    %c0_i32 = arith.constant 0 : i32
    %c0_i32_0 = arith.constant 0 : i32
    return %arg0, %arg1, %c0_i32 : i32, i32, i32
  }
}

</mosaic_0001>

<sc_bundles>
// kernel: sparse-core-data-format-call.1.cloned.1.call-start
scs
called_computation.1_lowered:
.L_overlay_start_0:
0x0: {  	s2 =	sld [smem:$0x3FD9]  }
0x1: {  	s3 =	sld [smem:$0x3FFE];
	_ =	sdelay $0x1  }
0x2: {  	s1 =	srdreg.scid  }
0x3: {  	s0 =	sand.u32 $0x1, s1  }
0x4: {  	s15 =	sshll.u32 s0, $0xA;
	s2 =	sadd.s32 s3, s2  }
0x5: {  	s2 =	sadd.s32 s2, s15  }
0x6: {  	[smem:$0x3FC6] =	sst s2  }
0x7: {  	_ = 	snop  }
0x8: {  	s2 =	sld [smem:$0x3FD0];
	_ =	sdelay $0x2  }
0x9: {  	s16 =	simm.s32 $0xA;
	s4 =	simm.s32 $0x10  }
0xa: {  	[smem:s4], [sflag:s16] =	dma.local [hbm:s2], $0x1  }
0xb: {  	_ =	swait.eq [sflag:s16], $0x1  }
0xc: {  	[sflag:s16] =	ssyncset.done $0x0  }
0xd: {  	[sflag:s16] =	ssyncadd.s32 $0xFFFFFFFF  }
0xe: {  	s17 =	sld [smem:$0x11];
	(tm) =	ssettm $0x1  }
0xf: {  	s18 =	sld [smem:$0x3FFB];
	_ =	sdelay $0x3  }
0x10: {  	_ =	strace s18  }
0x11: {  	s3 =	sld [smem:$0x3FFC];
	_ =	sdelay $0x3  }
0x12: {  	_ =	strace s3  }
0x13: {  	s3 =	sld [smem:$0x3FFD];
	_ =	sdelay $0x3  }
0x14: {  	_ =	strace s3  }
0x15: {  	_ =	strace $0x8FFFFFFF  }
0x16: {  	s19 =	sld [smem:$0x3FDB];
	_ =	sdelay $0x1  }
0x17: {  	s20 =	simm.s32 $_scs_section_size  }
0x18: {  	s5 =	simm.s32 $_size__tile_overlayer_lowered;
	s6 =	simm.s32 $_tile_overlayer_lowered  }
0x19: {  	s23 =	simm.s32 $0x1BFF;
	s22 =	sshll.u32 s6, $0x1;
	s3 =	sadd.s32 s20, s19  }
0x1a: {  	s7 =	simm.s32 $0x0;
	s21 =	sshll.u32 s5, $0x1;
	s5 =	sadd.s32 s22, s3  }
0x1b: {  	[timem:s7], [sflag:s23] =	dma.local [hbm:s5], s21  }
0x1c: {  	_ =	swait.ge [sflag:s23], s21  }
0x1d: {  	s4 =	ssub.s32 $0x0, s21;
	[sflag:s23] =	ssyncset.done $0x0  }
0x1e: {  	[sflag:s23] =	ssyncadd.s32 s4;
	_ =	sdelay $0x1  }
0x1f: {  	s24 =	simm.s32 $0x1B8B  }
0x20: {  	_ =	swait.ge [sflag:s24], $0x1  }
0x21: {  	[sflag:s24] =	ssyncset.done $0x0  }
0x22: {  	s26 =	simm.s32 $0x1B8E;
	s25 =	sld [smem:$0x3FFE];
	[sflag:s24] =	ssyncadd.s32 $0xFFFFFFFF  }
0x23: {  	s27 =	simm.s32 $execute0_lowered;
	[smem:$0x3FD2] =	sst s26  }
0x24: {  	s5 =	sshll.u32 s27, $0x1;
	_ =	strace $0x80000046;
	[dreg:$0x1] =	wrdreg $0xFFFFFFFF  }
0x25: {  	s28 =	simm.s32 $_size_execute0_lowered;
	s3 =	sadd.s32 s3, s5;
	[dreg:$0x0] =	wrdreg $0x0  }
0x26: {  	s5 =	sshll.u32 s28, $0x1;
	[dreg:$0x2] =	wrdreg s3  }
0x27: {  	[dreg:$0x3] =	wrdreg s5  }
0x28: {  	[dreg:$0x4] =	wrdreg $0xC0  }
0x29: {  	_ =	task [dreg:s7], $0x5FFFF  }
0x2a: {  	[dreg:$0x1] =	wrdreg $0xFFFFFFFF  }
0x2b: {  	[dreg:$0x0] =	wrdreg $0x60  }
0x2c: {  	[dreg:$0x2] =	wrdreg s17  }
0x2d: {  	[dreg:$0x3] =	wrdreg s25  }
0x2e: {  	[dreg:$0x4] =	wrdreg $0x9  }
0x2f: {  	_ =	task.clear_ibuf [dreg:s7], $0x5FFFF;
	_ =	strace $0x90000046  }
0x30: {  	s29 =	simm.s32 $0x9;
	_ =	strace $0x80000048  }
0x31: {  	_ =	swait.ge [sflag:s29], $0x1  }
0x32: {  	[sflag:s29] =	ssyncadd.s32 $0xFFFFFFFF  }
0x33: {  	_ =	strace $0x90000048  }
0x34: {  	_ =	sfence  }
0x35: {  	s30 =	sld [smem:$0x0];
	_ =	sdelay $0x2  }
0x36: {  	s31 =	sshll.u32 s1, $0xD;
	s1 =	sshrl.u32 s1, $0x2  }
0x37: {  	s3 =	sand.u32 $0x4000, s31;
	s1 =	sadd.s32 s1, s30  }
0x38: {  	s0 =	sor.u32 s3, s0;
	s1 =	sshll.u32 s1, $0x11  }
0x39: {  	s0 =	sor.u32 s1, s0  }
0x3a: {  	s0 =	sadd.s32 $0x8F2B, s0  }
0x3b: {  	[sflag:s0] =	ssyncadd.remote.s32 $0x1  }
0x3c: {  	_ =	sfence.sel $0xFFFF  }
0x3d: {  	[dreg:$0x0] =	wrdreg $0xFFFFFFFF;
	(pc) =	sbr.abs _section_cstart, $3  }
0x3e: {  	[dreg:$0x1] =	wrdreg $0xFFFFFFFF  }
0x3f: {  	_ =	task.clear_ibuf [dreg:s7], $0x2FFFF;
	_ =	strace $0x9FFFFFFF  }
0x40: {  	(tm) =	ssettm $0x7FFFFFFF  }
0x41: {  	_ =	shalt  }
tec
execute0_lowered:
.L_overlay_start_1:
0x0: {  	(tag) =	ssettag $0x1  }
0x1: {  	s0 =	stileid.u32;
	s1 =	srdreg.scid  }
0x2: {  	s4 =	rddreg [dreg:$0x1];
	s7 =	simm.s32 $0x1;
	s31 =	simm.s32 $0x2  }
0x3: {  	s16 =	simm.s32 $0x0;
	s2 =	sshll.u32 s0, $0x4;
	s1 =	sshll.u32 s1, $0x8  }
0x4: {  	s9 =	simm.s32 $0x2000;
	s14 =	simm.s32 $0x0;
	s1 =	sor.u32 s2, s1  }
0x5: {  	s15 =	simm.s32 $0x0;
	s10 =	simm.s32 $0x0;
	s3 =	sand.u32 $0x180, s1  }
0x6: {  	s13 =	simm.s32 $0x0;
	s2 =	rddreg [dreg:$0x0];
	s5 =	ssub.s32 $0x400, s3  }
0x7: {  	s4 =	sadd.s32 $0xA00, s4;
	s1 =	rddreg [dreg:$0x2];
	s6 =	sand.u32 $0x180, s5  }
.Ltmp0:
0x8: {  	_ =	strace $0x80000047;
	p0 =	sne.s32 s6, $0x0;
	(pc) =	sbr.rel .LBB1_1-.Ltmp0, $4  }
0x9: {  	s11 =	smov.u32 s3;
	s8 =	sshrl.u32 s5, $0x9;
	s7 =	simm.s32 @!p0 $0x0  }
0xa: {  	s5 =	sand.u32 $0x7, s0;
	s6 =	simm.s32 $0x1;
	s7 =	sadd.s32 s7, s8  }
0xb: {  	s12 =	smov.u32 s5;
	[sflag:s6] =	ssyncpa.u1 $0x0;
	s7 =	sshll.u32 s7, $0x5  }
0xc: {  	p0 =	por $0x0, $0x0;
	[sflag:s31] =	ssyncpa.u1 $0x0;
	s8 =	sor.u32 $0x1, s7  }
.LBB1_4:
0xd: {  	v5 =	vld [tilespmem:s20+$0xFFFFFFD0];
	[tilespmem:s19+$0x2040 ss:$0x81] =	vst.msk $0xffff, v1  }
0xe: {  	v58 =	vld [tilespmem:s20+$0xFFFFFFE0];
	[tilespmem:s19+$0x2850 ss:$0x81] =	vst.msk $0xffff, v2  }
0xf: {  	s21 =	sshra.s32 s21, $0x2;
	v59 =	vld [tilespmem:s20+$0xFFFFFFF0];
	[tilespmem:s19+$0x3060 ss:$0x81] =	vst.msk $0xffff, v3  }
0x10: {  	v60 =	vld [tilespmem:s20+$0x0];
	[tilespmem:s19+$0x0 ss:$0x81] =	vst.msk $0xffff, v0;
	s18 =	sadd.s32 s21, s18  }
0x11: {  	v61 =	vld [tilespmem:s20+$0x10];
	[tilespmem:s18+$0x3870 ss:$0x81] =	vst.msk $0xffff, v4  }
0x12: {  	v62 =	vld [tilespmem:s20+$0x20];
	s26 =	sshll.u32 s16, $0xA;
	s27 =	sshll.u32 s14, $0x3;
	[tilespmem:s18+$0x810 ss:$0x81] =	vst.msk $0xffff, v5  }
0x13: {  	v63 =	vld [tilespmem:s20+$0xFFFFFFC0];
	s29 =	sshll.u32 s16, $0x7;
	s30 =	sand.u32 $0x78, s14;
	s15 =	sshll.u32 s15, $0x13;
	[tilespmem:s18+$0x1020 ss:$0x81] =	vst.msk $0xffff, v58  }
0x14: {  	s19 =	sand.u32 $0x3FE000, s26;
	s28 =	sand.u32 $0x3FFC00, s27;
	s16 =	sand.u32 $0x380, s29;
	[tilespmem:s18+$0x1830 ss:$0x81] =	vst.msk $0xffff, v59  }
0x15: {  	s31 =	sand.u32 $0x7, s14;
	s19 =	sadd.s32 s28, s19;
	s16 =	sor.u32 s30, s16;
	[tilespmem:s18+$0x2040 ss:$0x81] =	vst.msk $0xffff, v60  }
0x16: {  	s15 =	sadd.s32 s4, s15;
	s19 =	sshrl.u32 s19, $0x3;
	s16 =	sshrl.u32 s16, $0x3;
	[tilespmem:s18+$0x2850 ss:$0x81] =	vst.msk $0xffff, v61  }
0x17: {  	s14 =	sshll.u32 s31, $0x12;
	s19 =	sand.u32 $0x7FF80, s19;
	s15 =	sadd.s32 s16, s15;
	[tilespmem:s18+$0x3060 ss:$0x81] =	vst.msk $0xffff, v62  }
0x18: {  	s14 =	sor.u32 $0x400, s14;
	[tilespmem:s18+$0x0 ss:$0x81] =	vst.msk $0xffff, v63;
	s15 =	sadd.s32 s19, s15  }
0x19: {  	[hbm4b:s15+s14] =	stream.strided.scatter [tilespmem:s17], [sflag:$0x2], $0x4000, s9, s14, $0x20;
	[tilespmem:$0x10100] =	vst v63  }
.LBB1_5:
0x1a: {  	s17 =	sadd.s32 $0x80, s10  }
0x1b: {  	s14 =	sadd.s32 $0x200, s11;
	s18 =	smov.u32 s11;
	p2 =	sgt.s32 s17, $0xFFF  }
0x1c: {  	s18 =	smov.u32 @p2 s14  }
0x1d: {  	s20 =	smov.u32 s12;
	s14 =	sadd.s32 $0x8, s12;
	p3 =	sgt.s32 s18, $0x3FF  }
0x1e: {  	s20 =	smov.u32 @p3 s14  }
0x1f: {  	s17 =	simm.s32 @p2 $0x0;
	p2 =	sgt.s32 s20, $0x7  }
0x20: {  	p1 =	slt.u32 s13, $0x2;
	s20 =	smov.u32 @p2 s5;
	p2 =	sne.s32 s13, s8  }
.Ltmp1:
0x21: {  	s19 =	simm.s32 @!p1 $0x2;
	(pc) =	sbr.rel @!p2 .LBB1_6-.Ltmp1, $4  }
0x22: {  	s16 =	smov.u32 s10;
	s15 =	smov.u32 s12;
	_ =	swait.ge @!p1 [sflag:s19], $0x4000  }
0x23: {  	p0 =	por !p0, !p0;
	[sflag:s19] =	ssyncset.done @!p1 $0x0;
	s10 =	smov.u32 s17  }
0x24: {  	s18 =	smov.u32 @p3 s3;
	s14 =	smov.u32 s11;
	[sflag:s19] =	ssyncadd.s32 @!p1 $0xFFFFC000  }
0x25: {  	s11 =	smov.u32 s18;
	s13 =	sadd.s32 $0x1, s13;
	s12 =	smov.u32 s20  }
.LBB1_1:
0x26: {  	p1 =	sge.u32 s13, s7;
	s31 =	sadd.s32 $0xFFFFFFFF, s13  }
0x27: {  	s17 =	sxor.u32 @!p1 $0xFFFFFFFF, s13;
	s18 =	sand.u32 @!p1 $0x78, s10;
	s19 =	sshll.u32 @!p1 s11, $0xC  }
0x28: {  	s20 =	sshll.u32 @!p1 s11, $0x7;
	s21 =	sshll.u32 @!p1 s10, $0x3;
	s17 =	sshll.u32 @!p1 s17, $0xE  }
0x29: {  	s19 =	sand.u32 @!p1 $0x3F8000, s19;
	s20 =	sand.u32 @!p1 $0x380, s20;
	s17 =	sand.u32 @!p1 $0x4000, s17  }
0x2a: {  	s19 =	sadd.s32 @!p1 s19, s21;
	s21 =	sand.u32 @!p1 $0xC00, s21;
	s18 =	sor.u32 @!p1 s20, s18  }
0x2b: {  	s20 =	sshll.u32 @!p1 s12, $0x13;
	s18 =	sor.u32 @!p1 s21, s18;
	s19 =	sshrl.u32 @!p1 s19, $0x3  }
0x2c: {  	s20 =	sadd.s32 @!p1 s2, s20;
	s21 =	sand.u32 @!p1 $0x7, s10;
	s19 =	sand.u32 @!p1 $0x7FE00, s19  }
0x2d: {  	s18 =	sshrl.u32 @!p1 s18, $0x3;
	s19 =	sadd.s32 @!p1 s19, s20;
	s20 =	sshll.u32 @!p1 s21, $0x12  }
0x2e: {  	s18 =	sadd.s32 @!p1 s18, s19;
	s19 =	sor.u32 @!p1 $0x400, s20;
	s20 =	simm.s32 @!p1 $0x8000  }
0x2f: {  	[tilespmem:s17], [sflag:$0x1] =	stream.strided.gather @!p1 [hbm4b:s18+s19], $0x4000, s20, s19, $0x38;
	[tilespmem:$0x10100] =	vst v63  }
0x30: {  	p1 =	sge.u32 s31, s7  }
.Ltmp2:
0x31: {  	_ = 	snop;
	(pc) =	sbr.rel @p1 .LBB1_5-.Ltmp2, $1  }
0x32: {  	_ =	sdelay $0x3  }
0x33: {  	s17 =	simm.s32 $0x1  }
0x34: {  	_ =	swait.ge [sflag:s6], $0x4000;
	s17 =	simm.s32 @!p0 $0x0  }
0x35: {  	[sflag:s6] =	ssyncset.done $0x0;
	s18 =	sshll.u32 s17, $0xE  }
0x36: {  	[sflag:s6] =	ssyncadd.s32 $0xFFFFC000;
	s20 =	sor.u32 $0x40, s18  }
0x37: {  	s17 =	smul.u32 $0x10200, s17;
	v0 =	vld [tilespmem:s20+$0x30]  }
0x38: {  	v3 =	vld [tilespmem:s20+$0xFFFFFFD0]  }
0x39: {  	s17 =	sshrl.u32 s17, $0x2;
	v4 =	vld [tilespmem:s20+$0xFFFFFFE0]  }
0x3a: {  	v5 =	vld [tilespmem:s20+$0xFFFFFFF0];
	s18 =	sor.u32 $0x8000, s17  }
0x3b: {  	s31 =	sand.u32 $0x1, s13;
	v1 =	vld [tilespmem:s20+$0x0];
	s19 =	sadd.s32 $0x0, s18  }
0x3c: {  	v2 =	vld [tilespmem:s20+$0x10];
	s17 =	smul.u32 $0x10200, s31;
	[tilespmem:s19+$0x3870 ss:$0x81] =	vst.msk $0xffff, v0  }
0x3d: {  	[tilespmem:s19+$0x810 ss:$0x81] =	vst.msk $0xffff, v3;
	v3 =	vld [tilespmem:s20+$0x20]  }
0x3e: {  	s17 =	sshrl.u32 s17, $0x2;
	v0 =	vld [tilespmem:s20+$0xFFFFFFC0];
	[tilespmem:s19+$0x1020 ss:$0x81] =	vst.msk $0xffff, v4;
	s20 =	sadd.s32 $0x80, s20  }
0x3f: {  	s21 =	simm.s32 $0x4;
	s22 =	simm.s32 $0x8;
	s17 =	sor.u32 $0x8000, s17;
	[tilespmem:s19+$0x1830 ss:$0x81] =	vst.msk $0xffff, v5;
	v4 =	vld [tilespmem:s20+$0x30]  }
.LBB1_3:
0x40: {  	p1 =	sne.s32 s22, $0x1FC;
	v5 =	vld [tilespmem:s20+$0xFFFFFFD0];
	[tilespmem:s19+$0x2040 ss:$0x81] =	vst.msk $0xffff, v1  }
0x41: {  	v6 =	vld [tilespmem:s20+$0xFFFFFFE0];
	[tilespmem:s19+$0x2850 ss:$0x81] =	vst.msk $0xffff, v2  }
0x42: {  	s23 =	sshra.s32 s21, $0x2;
	s21 =	smov.u32 s22;
	v7 =	vld [tilespmem:s20+$0xFFFFFFF0];
	[tilespmem:s19+$0x3060 ss:$0x81] =	vst.msk $0xffff, v3  }
.Ltmp3:
0x43: {  	v1 =	vld [tilespmem:s20+$0x0];
	[tilespmem:s19+$0x0 ss:$0x81] =	vst.msk $0xffff, v0;
	s19 =	sadd.s32 s23, s18;
	(pc) =	sbr.rel @p1 .LBB1_3-.Ltmp3, $4  }
0x44: {  	v2 =	vld [tilespmem:s20+$0x10];
	[tilespmem:s19+$0x3870 ss:$0x81] =	vst.msk $0xffff, v4  }
0x45: {  	[tilespmem:s19+$0x810 ss:$0x81] =	vst.msk $0xffff, v5;
	v3 =	vld [tilespmem:s20+$0x20]  }
0x46: {  	v0 =	vld [tilespmem:s20+$0xFFFFFFC0];
	[tilespmem:s19+$0x1020 ss:$0x81] =	vst.msk $0xffff, v6;
	s20 =	sadd.s32 $0x80, s20  }
0x47: {  	s22 =	sadd.s32 $0x4, s22;
	v4 =	vld [tilespmem:s20+$0x30];
	[tilespmem:s19+$0x1830 ss:$0x81] =	vst.msk $0xffff, v7  }
.Ltmp4:
0x48: {  	_ = 	snop;
	(pc) =	sbr.rel .LBB1_4-.Ltmp4, $1  }
0x49: {  	_ =	sdelay $0x3  }
.LBB1_6:
0x4a: {  	_ =	sfence.sel $0x180000  }
0x4b: {  	s2 =	simm.s32 $0x1;
	[bflag:$0x0] =	sbarrier.arrive $0xFFFF  }
0x4c: {  	s31 =	simm.s32 $0x2;
	[sflag:s2] =	ssyncpa.u1 $0x1  }
0x4d: {  	[sflag:s31] =	ssyncpa.u1 $0x1  }
0x4e: {  	p0 =	sne.s32 s0, $0x0;
	_ =	strace $0x90000047  }
0x4f: {  	s0 =	sadd.s32 @!p0 $0x100000, s1;
	[bflag:$0x2] =	sbarrier.arrive $0xFFFF  }
0x50: {  	[sflag:s0] =	ssyncadd.tile.s32 @!p0 $0x1;
	_ =	shalt  }
.Lfunc_end1:
_tile_overlayer_lowered:
.L_overlay_start_2:
0x51: {  	(tag) =	ssettag $0x2  }
0x52: {  	s0 =	rddreg [dreg:$0x0];
	s2 =	stileid.u32  }
0x53: {  	s1 =	rddreg [dreg:$0x1];
	p0 =	sne.s32 s2, $0x0  }
0x54: {  	s3 =	rddreg [dreg:$0x2];
	[bflag:$0x3] =	sbarrier.arrive $0xFFFF;
	s2 =	simm.s32 @!p0 $0x1C01  }
0x55: {  	[timem:s3], [sflag:s2] =	dma.local @!p0 [hbm:s0], s1  }
0x56: {  	s0 =	simm.s32 @!p0 $0x1  }
0x57: {  	_ =	swait.ge @!p0 [sflag:s0], s1  }
0x58: {  	s1 =	ssub.s32 @!p0 $0x0, s1;
	[sflag:s0] =	ssyncset.done @!p0 $0x0  }
0x59: {  	[sflag:s0] =	ssyncadd.s32 @!p0 s1  }
0x5a: {  	[bflag:$0x3] =	sbarrier.arrive $0xFFFF  }
0x5b: {  	_ =	shalt  }

// kernel: sparse-core-data-format-call.cloned.1.call-start
scs
called_computation_lowered:
.L_overlay_start_0:
0x0: {  	s1 =	sld [smem:$0x3FD9]  }
0x1: {  	s2 =	sld [smem:$0x3FFE];
	_ =	sdelay $0x1  }
0x2: {  	s3 =	srdreg.scid  }
0x3: {  	s0 =	sand.u32 $0x1, s3  }
0x4: {  	s17 =	sshll.u32 s0, $0xA;
	s1 =	sadd.s32 s2, s1  }
0x5: {  	s1 =	sadd.s32 s1, s17  }
0x6: {  	[smem:$0x3FC6] =	sst s1  }
0x7: {  	_ = 	snop  }
0x8: {  	(tm) =	ssettm $0x1  }
0x9: {  	s18 =	sld [smem:$0x3FFB];
	_ =	sdelay $0x3  }
0xa: {  	_ =	strace s18  }
0xb: {  	s1 =	sld [smem:$0x3FFC];
	_ =	sdelay $0x3  }
0xc: {  	_ =	strace s1  }
0xd: {  	s1 =	sld [smem:$0x3FFD];
	_ =	sdelay $0x3  }
0xe: {  	_ =	strace s1  }
0xf: {  	_ =	strace $0x8FFFFFFF  }
0x10: {  	s19 =	sld [smem:$0x3FDB];
	_ =	sdelay $0x1  }
0x11: {  	s20 =	simm.s32 $_scs_section_size  }
0x12: {  	s4 =	simm.s32 $_size__tile_overlayer_lowered;
	s5 =	simm.s32 $_tile_overlayer_lowered  }
0x13: {  	s23 =	simm.s32 $0x1BFF;
	s22 =	sshll.u32 s5, $0x1;
	s1 =	sadd.s32 s20, s19  }
0x14: {  	s6 =	simm.s32 $0x0;
	s21 =	sshll.u32 s4, $0x1;
	s4 =	sadd.s32 s22, s1  }
0x15: {  	[timem:s6], [sflag:s23] =	dma.local [hbm:s4], s21  }
0x16: {  	_ =	swait.ge [sflag:s23], s21  }
0x17: {  	s2 =	ssub.s32 $0x0, s21;
	[sflag:s23] =	ssyncset.done $0x0  }
0x18: {  	[sflag:s23] =	ssyncadd.s32 s2;
	_ =	sdelay $0x1  }
0x19: {  	s24 =	simm.s32 $0x1B8B  }
0x1a: {  	_ =	swait.ge [sflag:s24], $0x1  }
0x1b: {  	[sflag:s24] =	ssyncset.done $0x0  }
0x1c: {  	s26 =	simm.s32 $0x1B8E;
	s25 =	sld [smem:$0x3FFE];
	[sflag:s24] =	ssyncadd.s32 $0xFFFFFFFF  }
0x1d: {  	s27 =	simm.s32 $execute0_lowered;
	[smem:$0x3FD2] =	sst s26  }
0x1e: {  	s4 =	sshll.u32 s27, $0x1;
	_ =	strace $0x80000049;
	[dreg:$0x1] =	wrdreg $0xFFFFFFFF  }
0x1f: {  	s28 =	simm.s32 $_size_execute0_lowered;
	s1 =	sadd.s32 s1, s4;
	[dreg:$0x0] =	wrdreg $0x0  }
0x20: {  	s4 =	sshll.u32 s28, $0x1;
	[dreg:$0x2] =	wrdreg s1  }
0x21: {  	[dreg:$0x3] =	wrdreg s4  }
0x22: {  	[dreg:$0x4] =	wrdreg $0xC0  }
0x23: {  	_ =	task [dreg:s6], $0x5FFFF  }
0x24: {  	[dreg:$0x1] =	wrdreg $0xFFFFFFFF  }
0x25: {  	[dreg:$0x0] =	wrdreg $0x60  }
0x26: {  	[dreg:$0x2] =	wrdreg s25  }
0x27: {  	[dreg:$0x3] =	wrdreg $0x9  }
0x28: {  	_ =	task.clear_ibuf [dreg:s6], $0x4FFFF;
	_ =	strace $0x90000049  }
0x29: {  	s29 =	simm.s32 $0x9;
	_ =	strace $0x8000004B  }
0x2a: {  	_ =	swait.ge [sflag:s29], $0x1  }
0x2b: {  	[sflag:s29] =	ssyncadd.s32 $0xFFFFFFFF  }
0x2c: {  	_ =	strace $0x9000004B  }
0x2d: {  	_ =	sfence  }
0x2e: {  	s30 =	sld [smem:$0x0];
	_ =	sdelay $0x2  }
0x2f: {  	s31 =	sshll.u32 s3, $0xD;
	s3 =	sshrl.u32 s3, $0x2  }
0x30: {  	s2 =	sand.u32 $0x4000, s31;
	s1 =	sadd.s32 s3, s30  }
0x31: {  	s0 =	sor.u32 s2, s0;
	s1 =	sshll.u32 s1, $0x11  }
0x32: {  	s0 =	sor.u32 s1, s0  }
0x33: {  	s0 =	sadd.s32 $0x8F2B, s0  }
0x34: {  	[sflag:s0] =	ssyncadd.remote.s32 $0x1  }
0x35: {  	_ =	sfence.sel $0xFFFF  }
0x36: {  	[dreg:$0x0] =	wrdreg $0xFFFFFFFF;
	(pc) =	sbr.abs _section_cstart, $3  }
0x37: {  	[dreg:$0x1] =	wrdreg $0xFFFFFFFF  }
0x38: {  	_ =	task.clear_ibuf [dreg:s6], $0x2FFFF;
	_ =	strace $0x9FFFFFFF  }
0x39: {  	(tm) =	ssettm $0x7FFFFFFF  }
tec
execute0_lowered:
.L_overlay_start_1:
0x0: {  	(tag) =	ssettag $0x1  }
0x1: {  	s0 =	stileid.u32  }
0x2: {  	s1 =	srdreg.scid;
	s8 =	rddreg [dreg:$0x0]  }
0x3: {  	s9 =	simm.s32 $0x2;
	s16 =	simm.s32 $0x0;
	s10 =	simm.s32 $0x10000  }
0x4: {  	s15 =	simm.s32 $0x0;
	s17 =	simm.s32 $0x0;
	s11 =	simm.s32 $0x0  }
0x5: {  	s2 =	sshll.u32 s0, $0x1;
	s3 =	sshll.u32 s0, $0x5;
	s4 =	sshll.u32 s1, $0x9  }
0x6: {  	s14 =	simm.s32 $0x0;
	s1 =	sand.u32 $0x6, s2;
	s29 =	sor.u32 s3, s4  }
0x7: {  	s4 =	simm.s32 $0x1;
	s2 =	sand.u32 $0x380, s29;
	s30 =	ssub.s32 $0x8, s1  }
0x8: {  	s3 =	rddreg [dreg:$0x1];
	s31 =	sand.u32 $0x6, s30;
	s5 =	ssub.s32 $0x400, s2  }
0x9: {  	_ =	strace $0x8000004A;
	p0 =	sne.s32 s31, $0x0;
	s6 =	sand.u32 $0x380, s5  }
0xa: {  	s4 =	simm.s32 @!p0 $0x0;
	p0 =	sne.s32 s6, $0x0;
	s6 =	simm.s32 $0x1  }
0xb: {  	s7 =	sshrl.u32 s30, $0x3;
	s5 =	sshrl.u32 s5, $0xA;
	s6 =	simm.s32 @!p0 $0x0  }
.Ltmp0:
0xc: {  	s7 =	sadd.s32 s4, s7;
	s5 =	sadd.s32 s6, s5;
	(pc) =	sbr.rel .LBB1_1-.Ltmp0, $4  }
0xd: {  	s13 =	smov.u32 s1;
	s4 =	simm.s32 $0x1;
	s7 =	smul.u32 s5, s7  }
0xe: {  	s12 =	smov.u32 s2;
	p0 =	por $0x0, $0x0;
	[sflag:s4] =	ssyncpa.u1 $0x0  }
0xf: {  	s6 =	sadd.s32 $0x800A00, s8;
	s5 =	sadd.s32 $0xA00, s8;
	s7 =	sshll.u32 s7, $0x6  }
0x10: {  	[sflag:s9] =	ssyncpa.u1 $0x0;
	s8 =	sadd.s32 $0x100A00, s8;
	s9 =	sor.u32 $0x1, s7  }
.LBB1_7:
0x11: {  	s18 =	sadd.s32 $0x1, s11  }
0x12: {  	s15 =	sadd.s32 $0x400, s12;
	s19 =	smov.u32 s12;
	p2 =	sgt.s32 s18, $0x3F  }
0x13: {  	s19 =	smov.u32 @p2 s15  }
0x14: {  	s21 =	smov.u32 s13;
	s15 =	sadd.s32 $0x8, s13;
	p3 =	sgt.s32 s19, $0x3FF  }
0x15: {  	s21 =	smov.u32 @p3 s15  }
0x16: {  	s18 =	simm.s32 @p2 $0x0;
	p2 =	sgt.s32 s21, $0x7  }
0x17: {  	p1 =	slt.u32 s14, $0x2;
	s21 =	smov.u32 @p2 s1;
	p2 =	sne.s32 s14, s9  }
.Ltmp1:
0x18: {  	s20 =	simm.s32 @!p1 $0x2;
	(pc) =	sbr.rel @!p2 .LBB1_8-.Ltmp1, $4  }
0x19: {  	s16 =	smov.u32 s11;
	s17 =	smov.u32 s13;
	_ =	swait.ge @!p1 [sflag:s20], $0x4000  }
0x1a: {  	p0 =	por !p0, !p0;
	[sflag:s20] =	ssyncset.done @!p1 $0x0;
	s11 =	smov.u32 s18  }
0x1b: {  	s19 =	smov.u32 @p3 s2;
	s15 =	smov.u32 s12;
	[sflag:s20] =	ssyncadd.s32 @!p1 $0xFFFFC000  }
0x1c: {  	s12 =	smov.u32 s19;
	s14 =	sadd.s32 $0x1, s14;
	s13 =	smov.u32 s21  }
.LBB1_1:
0x1d: {  	p1 =	sge.u32 s14, s7  }
0x1e: {  	s18 =	sxor.u32 @!p1 $0xFFFFFFFF, s14;
	s19 =	sshll.u32 @!p1 s13, $0x14  }
0x1f: {  	s20 =	sshll.u32 @!p1 s12, $0xA;
	s22 =	sshll.u32 @!p1 s11, $0x4;
	s23 =	simm.s32 @!p1 $0x40  }
0x20: {  	s24 =	simm.s32 @!p1 $0x2000;
	s18 =	sshll.u32 @!p1 s18, $0xE;
	s21 =	sadd.s32 @!p1 s19, s20  }
0x21: {  	s22 =	sand.u32 @!p1 $0x3F0, s22;
	s19 =	sadd.s32 @!p1 s19, s8;
	s21 =	sadd.s32 @!p1 s5, s21  }
0x22: {  	s18 =	sand.u32 @!p1 $0x4000, s18;
	s19 =	sadd.s32 @!p1 s20, s19;
	s21 =	sadd.s32 @!p1 s22, s21  }
0x23: {  	[tilespmem:s18], [sflag:$0x1] =	stream.strided.gather @!p1 [hbm4b:s21+s23], $0x2000, s24, s23, $0x38;
	[tilespmem:$0x10100] =	vst v63  }
0x24: {  	s31 =	sadd.s32 $0xFFFFFFFF, s14;
	s19 =	sadd.s32 @!p1 s22, s19;
	s18 =	sor.u32 @!p1 $0x2000, s18  }
0x25: {  	[tilespmem:s18], [sflag:$0x1] =	stream.strided.gather @!p1 [hbm4b:s19+s23], $0x2000, s24, s23, $0x38;
	[tilespmem:$0x10100] =	vst v63  }
0x26: {  	p1 =	sge.u32 s31, s7  }
.Ltmp2:
0x27: {  	_ = 	snop;
	(pc) =	sbr.rel @p1 .LBB1_7-.Ltmp2, $1  }
0x28: {  	_ =	sdelay $0x3  }
0x29: {  	s18 =	simm.s32 $0x1;
	s20 =	sand.u32 $0x1, s14  }
0x2a: {  	_ =	swait.ge [sflag:s4], $0x4000;
	s18 =	simm.s32 @!p0 $0x0;
	s20 =	smul.u32 $0x10200, s20  }
0x2b: {  	p2 =	por $0x1, $0x1;
	[sflag:s4] =	ssyncset.done $0x0;
	s19 =	smul.u32 $0x10200, s18  }
0x2c: {  	s21 =	sshll.u32 s18, $0x10;
	[sflag:s4] =	ssyncadd.s32 $0xFFFFC000;
	s30 =	sshrl.u32 s20, $0x2  }
0x2d: {  	s31 =	sshrl.u32 s21, $0x2;
	s21 =	simm.s32 $0x0;
	s19 =	sshrl.u32 s19, $0x2  }
0x2e: {  	s18 =	sor.u32 $0x8000, s30;
	s20 =	sadd.s32 $0x20, s31;
	s19 =	sor.u32 $0x8000, s19  }
.LBB1_3:
0x2f: {  	s22 =	sshll.u32 s21, $0xD  }
0x30: {  	s22 =	sand.u32 $0x3FFFE000, s22  }
0x31: {  	s24 =	sadd.s32 s22, s20  }
0x32: {  	s31 =	smul.u32 $0x8100, s21;
	v3 =	vld [tilespmem:s24+$0x10]  }
0x33: {  	v1 =	vld [tilespmem:s24+$0xFFFFFFF0]  }
0x34: {  	s21 =	sshra.s32 s31, $0x2;
	v0 =	vld [tilespmem:s24+$0x0]  }
0x35: {  	s21 =	sadd.s32 s21, s19;
	v2 =	vld [tilespmem:s24+$0xFFFFFFE0]  }
0x36: {  	s22 =	sadd.s32 $0x0, s21  }
0x37: {  	p1 =	por p2, p2;
	s23 =	simm.s32 $0x4;
	s24 =	sadd.s32 $0x40, s24;
	[tilespmem:s22+$0x1830 ss:$0x81] =	vst.msk $0xffff, v3  }
.LBB1_4:
0x38: {  	v3 =	vld [tilespmem:s24+$0x10];
	p2 =	sne.s32 s23, $0x1FC;
	[tilespmem:s22+$0x810 ss:$0x81] =	vst.msk $0xffff, v1;
	s25 =	smov.u32 s23;
	s23 =	sadd.s32 $0x4, s23  }
.Ltmp3:
0x39: {  	v1 =	vld [tilespmem:s24+$0xFFFFFFF0];
	[tilespmem:s22+$0x1020 ss:$0x81] =	vst.msk $0xffff, v0;
	(pc) =	sbr.rel @p2 .LBB1_4-.Ltmp3, $4  }
0x3a: {  	v0 =	vld [tilespmem:s24+$0x0];
	[tilespmem:s22+$0x0 ss:$0x81] =	vst.msk $0xffff, v2  }
0x3b: {  	s22 =	sshra.s32 s25, $0x2;
	v2 =	vld [tilespmem:s24+$0xFFFFFFE0]  }
0x3c: {  	s22 =	sadd.s32 s22, s21  }
0x3d: {  	s24 =	sadd.s32 $0x40, s24;
	[tilespmem:s22+$0x1830 ss:$0x81] =	vst.msk $0xffff, v3  }
.Ltmp4:
0x3e: {  	(pc) =	sbr.rel @p1 .LBB1_3-.Ltmp4, $4  }
0x3f: {  	_ = 	snop  }
0x40: {  	[tilespmem:s22+$0x810 ss:$0x81] =	vst.msk $0xffff, v1  }
0x41: {  	[tilespmem:s22+$0x1020 ss:$0x81] =	vst.msk $0xffff, v0  }
0x42: {  	s21 =	simm.s32 $0x1;
	p2 =	por $0x0, $0x0;
	[tilespmem:s22+$0x0 ss:$0x81] =	vst.msk $0xffff, v2  }
0x43: {  	s19 =	sshll.u32 s16, $0xA;
	s20 =	sshll.u32 s15, $0x3;
	s30 =	sshll.u32 s16, $0x7  }
0x44: {  	s21 =	sand.u32 $0x78, s15;
	s17 =	sshll.u32 s17, $0x13;
	s31 =	sand.u32 $0x7, s15  }
0x45: {  	s19 =	sand.u32 $0xE000, s19;
	s20 =	sand.u32 $0xFC00, s20;
	s16 =	sand.u32 $0x380, s30  }
.Ltmp5:
0x46: {  	s19 =	sadd.s32 s20, s19;
	s16 =	sor.u32 s21, s16;
	(pc) =	sbr.rel .LBB1_7-.Ltmp5, $4  }
0x47: {  	s17 =	sadd.s32 s6, s17;
	s19 =	sshrl.u32 s19, $0x3;
	s16 =	sshrl.u32 s16, $0x3  }
0x48: {  	s15 =	sshll.u32 s31, $0x12;
	s19 =	sand.u32 $0x1F80, s19;
	s16 =	sadd.s32 s16, s17  }
0x49: {  	s15 =	sor.u32 $0x80, s15;
	s16 =	sadd.s32 s19, s16  }
0x4a: {  	[hbm4b:s16+s15] =	stream.strided.scatter [tilespmem:s18], [sflag:$0x2], $0x4000, s10, s15, $0x20;
	[tilespmem:$0x10100] =	vst v63  }
.LBB1_8:
0x4b: {  	_ =	sfence.sel $0x180000  }
0x4c: {  	s1 =	simm.s32 $0x1;
	[bflag:$0x0] =	sbarrier.arrive $0xFFFF  }
0x4d: {  	s31 =	simm.s32 $0x2;
	[sflag:s1] =	ssyncpa.u1 $0x1  }
0x4e: {  	[sflag:s31] =	ssyncpa.u1 $0x1  }
0x4f: {  	p0 =	sne.s32 s0, $0x0;
	_ =	strace $0x9000004A  }
0x50: {  	s0 =	sadd.s32 @!p0 $0x100000, s3;
	[bflag:$0x2] =	sbarrier.arrive $0xFFFF  }
0x51: {  	[sflag:s0] =	ssyncadd.tile.s32 @!p0 $0x1;
	_ =	shalt  }
.Lfunc_end1:
_tile_overlayer_lowered:
.L_overlay_start_2:
0x52: {  	(tag) =	ssettag $0x2  }
0x53: {  	s0 =	rddreg [dreg:$0x0];
	s2 =	stileid.u32  }
0x54: {  	s1 =	rddreg [dreg:$0x1];
	p0 =	sne.s32 s2, $0x0  }
0x55: {  	s3 =	rddreg [dreg:$0x2];
	[bflag:$0x3] =	sbarrier.arrive $0xFFFF;
	s2 =	simm.s32 @!p0 $0x1C01  }
0x56: {  	[timem:s3], [sflag:s2] =	dma.local @!p0 [hbm:s0], s1  }
0x57: {  	s0 =	simm.s32 @!p0 $0x1  }
0x58: {  	_ =	swait.ge @!p0 [sflag:s0], s1  }
0x59: {  	s1 =	ssub.s32 @!p0 $0x0, s1;
	[sflag:s0] =	ssyncset.done @!p0 $0x0  }
0x5a: {  	[sflag:s0] =	ssyncadd.s32 @!p0 s1  }
0x5b: {  	[bflag:$0x3] =	sbarrier.arrive $0xFFFF  }
0x5c: {  	_ =	shalt  }

</sc_bundles>
